<compile_context>
chip_gen: v7x
topology: tpu7x:2x2x1
jax: 0.10.2.dev20260603
libtpu: 0.0.44.dev20260713+nightly
codegen_flags: <defaults>
</compile_context>

<pallas_src>
import functools

import jax
import jax.numpy as jnp
from jax import lax
from jax.experimental import pallas as pl
from jax.experimental.pallas import tpu as pltpu
from jax.experimental.pallas import tpu_sc as plsc

E = 64
K = 2
T = 2048
D = 768
F = 768
A = T * K
BT = 128
NT = A // BT + E
GT = 2
NTG = NT // GT
PR = NT * BT

NC = 2
NS = 16
NW = NC * NS


def _gate_body(x_ref, wg_ref, i1_ref, i2_ref, p1_ref, p2_ref):
    s = lax.dot_general(x_ref[...], wg_ref[...], (((1,), (1,)), ((), ())),
                        preferred_element_type=jnp.float32)
    bg = s.shape[0]
    lane = lax.broadcasted_iota(jnp.int32, (bg, E), 1)
    m1 = jnp.max(s, axis=1, keepdims=True)
    i1 = jnp.min(jnp.where(s >= m1, lane, E), axis=1, keepdims=True)
    s2 = jnp.where(lane == i1, -jnp.inf, s)
    m2 = jnp.max(s2, axis=1, keepdims=True)
    i2 = jnp.min(jnp.where(s2 >= m2, lane, E), axis=1, keepdims=True)
    p1 = jax.nn.sigmoid(m1 - m2)
    i1_ref[...] = i1
    i2_ref[...] = i2
    p1_ref[...] = p1
    p2_ref[...] = 1.0 - p1


def _gate(x_flat, Wg):
    BG = 256
    out = jax.ShapeDtypeStruct((T, 1), jnp.int32)
    outf = jax.ShapeDtypeStruct((T, 1), jnp.float32)
    return pl.pallas_call(
        _gate_body,
        grid=(T // BG,),
        in_specs=[
            pl.BlockSpec((BG, D), lambda t: (t, 0)),
            pl.BlockSpec((E, D), lambda t: (0, 0)),
        ],
        out_specs=[pl.BlockSpec((BG, 1), lambda t: (t, 0))] * 4,
        out_shape=[out, out, outf, outf],
    )(x_flat, Wg)


def _sc_gather_body(rw, c, table_hbm, idx_hbm, out_hbm, idx_v, rows_v, sem):
    wid = lax.axis_index("s") * NC + lax.axis_index("c")
    base = wid * rw

    def chunk(j, _):
        off = base + j * c
        pltpu.sync_copy(idx_hbm.at[pl.ds(off, c)], idx_v)
        pltpu.async_copy(table_hbm.at[idx_v], rows_v, sem).wait()
        pltpu.sync_copy(rows_v, out_hbm.at[pl.ds(off, c)])
        return 0

    lax.fori_loop(0, rw // c, chunk, 0)


def _sc_gather_dyn_body(c, table_hbm, idx_hbm, kvec_hbm, out_hbm,
                        idx0_v, rows0_v, idx1_v, rows1_v, kv, s0, s1):
    wid = lax.axis_index("s") * NC + lax.axis_index("c")
    pltpu.sync_copy(kvec_hbm, kv)
    k = jnp.max(kv[...]).astype(jnp.int32)
    base = wid * (k * c)
    bufs = [(idx0_v, rows0_v, s0), (idx1_v, rows1_v, s1)]
    MAXK = 6

    def fire(j):
        ib, rb, sb = bufs[j % 2]

        @pl.when(k > j)
        def _():
            pltpu.sync_copy(idx_hbm.at[pl.ds(base + j * c, c)], ib)
            pltpu.async_copy(table_hbm.at[ib], rb, sb)

    def drain(j):
        ib, rb, sb = bufs[j % 2]

        @pl.when(k > j)
        def _():
            pltpu.make_async_copy(table_hbm.at[ib], rb, sb).wait()
            pltpu.sync_copy(rb, out_hbm.at[pl.ds(base + j * c, c)])

    fire(0)
    for j in range(1, MAXK):
        fire(j)
        drain(j - 1)
    drain(MAXK - 1)


def _sc_gather(table, idx, n_rows, chunk=128, kvec=None):
    rw = n_rows // NW
    mesh = plsc.VectorSubcoreMesh(core_axis_name="c", subcore_axis_name="s")
    scratch = [
        pltpu.VMEM((chunk,), jnp.int32),
        pltpu.VMEM((chunk, D), jnp.float32),
    ]
    if kvec is None:
        kern = pl.kernel(
            functools.partial(_sc_gather_body, rw, chunk),
            out_type=jax.ShapeDtypeStruct((n_rows, D), jnp.float32),
            mesh=mesh,
            scratch_types=scratch + [pltpu.SemaphoreType.DMA],
        )
        return kern(table, idx)
    kern = pl.kernel(
        functools.partial(_sc_gather_dyn_body, chunk),
        out_type=jax.ShapeDtypeStruct((n_rows, D), jnp.float32),
        mesh=mesh,
        scratch_types=scratch + scratch + [pltpu.VMEM((16,), jnp.float32),
                                           pltpu.SemaphoreType.DMA,
                                           pltpu.SemaphoreType.DMA],
        compiler_params=pltpu.CompilerParams(needs_layout_passes=False),
    )
    return kern(table, idx, kvec)


def _swiglu_tile(xb, wu, wv, wo):
    u = lax.dot_general(xb, wu, (((1,), (1,)), ((), ())),
                        preferred_element_type=jnp.float32)
    v = lax.dot_general(xb, wv, (((1,), (1,)), ((), ())),
                        preferred_element_type=jnp.float32)
    g = u * (v * jax.nn.sigmoid(v))
    return lax.dot_general(g, wo, (((1,), (1,)), ((), ())),
                           preferred_element_type=jnp.float32)


def _gmm_body(e_ref, v_ref, pm_ref, xs_ref, wu0_ref, wv0_ref, wo0_ref,
              wu1_ref, wv1_ref, wo1_ref, ys_ref):
    t = pl.program_id(0)
    wrefs = [(wu0_ref, wv0_ref, wo0_ref), (wu1_ref, wv1_ref, wo1_ref)]

    def run(n):
        ys = [_swiglu_tile(xs_ref[j * BT:(j + 1) * BT, :], *[w[0] for w in
                           wrefs[j]]) for j in range(n)]
        for j, y in enumerate(ys):
            ys_ref[j * BT:(j + 1) * BT, :] = y

    @pl.when(v_ref[GT * t + 1] == 1)
    def _():
        run(2)

    @pl.when((v_ref[GT * t] == 1) & (v_ref[GT * t + 1] == 0))
    def _():
        run(1)


def _gmm(xs, Win, Wout, e_of_t, valid_t, pmap):
    wspecs = []
    for j in range(GT):
        wspecs += [
            pl.BlockSpec((1, F, D),
                         lambda t, e, v, pm, j=j: (e[GT * t + j], 0, 0)),
            pl.BlockSpec((1, F, D),
                         lambda t, e, v, pm, j=j: (e[GT * t + j], 1, 0)),
            pl.BlockSpec((1, D, F),
                         lambda t, e, v, pm, j=j: (e[GT * t + j], 0, 0)),
        ]
    grid_spec = pltpu.PrefetchScalarGridSpec(
        num_scalar_prefetch=3,
        grid=(NTG,),
        in_specs=[
            pl.BlockSpec((GT * BT, D), lambda t, e, v, pm: (pm[t], 0)),
        ] + wspecs,
        out_specs=pl.BlockSpec((GT * BT, D), lambda t, e, v, pm: (pm[t], 0)),
    )
    return pl.pallas_call(
        _gmm_body,
        grid_spec=grid_spec,
        out_shape=jax.ShapeDtypeStruct((PR, D), jnp.float32),
        compiler_params=pltpu.CompilerParams(
            dimension_semantics=("arbitrary",),
            vmem_limit_bytes=100 * 2**20,
        ),
    )(e_of_t, valid_t, pmap, xs, Win, Win, Wout, Win, Win, Wout)


def _add_body(a_ref, b_ref, pa_ref, pb_ref, o_ref):
    o_ref[...] = a_ref[...] * pa_ref[...] + b_ref[...] * pb_ref[...]


def _pair_add(parts, p1, p2):
    BO = 256
    return pl.pallas_call(
        _add_body,
        grid=(T // BO,),
        in_specs=[
            pl.BlockSpec((BO, D), lambda t: (t, 0)),
            pl.BlockSpec((BO, D), lambda t: (t + T // BO, 0)),
            pl.BlockSpec((BO, 1), lambda t: (t, 0)),
            pl.BlockSpec((BO, 1), lambda t: (t, 0)),
        ],
        out_specs=pl.BlockSpec((BO, D), lambda t: (t, 0)),
        out_shape=jax.ShapeDtypeStruct((T, D), jnp.float32),
    )(parts, parts, p1, p2)


def kernel(x, Wg, Win, Wout):
    x_flat = x.reshape(T, D)
    i1, i2, p1, p2 = _gate(x_flat, Wg)

    e_flat = jnp.concatenate([i1, i2], axis=1).reshape(-1)
    p_flat = jnp.concatenate([p1, p2], axis=1).reshape(-1)

    oh = (e_flat[:, None] == jnp.arange(E, dtype=jnp.int32)[None, :])
    ohi = oh.astype(jnp.int32)
    rank = jnp.take_along_axis(jnp.cumsum(ohi, axis=0), e_flat[:, None],
                               axis=1)[:, 0] - 1
    counts = jnp.sum(ohi, axis=0)
    ptiles = (counts + BT - 1) // BT
    tstart = jnp.concatenate(
        [jnp.zeros(1, jnp.int32), jnp.cumsum(ptiles)]).astype(jnp.int32)
    total_tiles = tstart[E]
    pstart = tstart[:E] * BT
    ppos = pstart[e_flat] + rank

    tok_of_a = jnp.arange(A, dtype=jnp.int32) // K
    gidx = (jnp.arange(PR, dtype=jnp.int32) % T).at[ppos].set(tok_of_a)
    srcall = ppos.reshape(T, K).T.reshape(A)

    t_ar = jnp.arange(NT, dtype=jnp.int32)
    raw = (jnp.searchsorted(tstart, t_ar, side="right") - 1).astype(jnp.int32)
    raw = jnp.clip(raw, 0, E - 1)
    e_last = raw[jnp.clip(total_tiles - 1, 0, NT - 1)]
    e_of_t = jnp.where(t_ar < total_tiles, raw, e_last)
    valid_t = (t_ar < total_tiles).astype(jnp.int32)
    pmap = jnp.minimum(jnp.arange(NTG, dtype=jnp.int32),
                       (total_tiles - 1) // GT)

    CH2 = 64
    kval = (total_tiles * BT + NW * CH2 - 1) // (NW * CH2)
    kvec = jnp.full((16,), kval, jnp.float32)
    xs = _sc_gather(x_flat, gidx, PR, chunk=CH2, kvec=kvec)
    ys = _gmm(xs, Win, Wout, e_of_t, valid_t, pmap)
    parts = _sc_gather(ys, srcall, A)
    out = _pair_add(parts, p1, p2)
    return out.reshape(1, T, D)

# --- scband reference (transcript-rebuilt; emitter-appended) ---
"""Pipeline reference for scband-qwen3-moemlp-403726926300 (READ-ONLY COPY).

The authoritative reference and input builder live on the scoring server;
editing this copy changes nothing except your own understanding.
"""

import jax, jax.numpy as jnp
import numpy as np

E = 64
K = 2

def setup_inputs(seed: int = 0) -> dict:
    key = jax.random.key(seed)
    k1, k2, k3, k4 = jax.random.split(key, 4)
    x = jax.random.normal(k1, (1, 2048, 768), dtype=jnp.float32)
    # gate: nn.Linear(n_embed, num_experts, bias=False) -> weight [E, D]
    Wg = jax.random.normal(k2, (E, 768), dtype=jnp.float32) * 0.02
    # per-expert SwiGLU in_proj: nn.Linear(D, 2*F) -> weight [E, 2F, D]
    Win = jax.random.normal(k3, (E, 2 * 768, 768), dtype=jnp.float32) * 0.02
    # per-expert out_proj: nn.Linear(F, D) -> weight [E, D, F]
    Wout = jax.random.normal(k4, (E, 768, 768), dtype=jnp.float32) * 0.02
    return {"x": x, "Wg": Wg, "Win": Win, "Wout": Wout}

def reference(x, Wg, Win, Wout):
    B, T, D = x.shape
    scores = jnp.einsum('btd,ed->bte', x, Wg)
    topk_scores, topk_idx = jax.lax.top_k(scores, K)
    topk_probs = jax.nn.softmax(topk_scores, axis=-1)
    x_flat = x.reshape(-1, D)
    idx_flat = topk_idx.reshape(-1, K)
    probs_flat = topk_probs.reshape(-1, K)
    out = jnp.zeros_like(x_flat)
    for e in range(E):
        w = jnp.sum(jnp.where(idx_flat == e, probs_flat, jnp.zeros_like(probs_flat)), axis=-1)[:, None]
        h = x_flat @ Win[e].T
        u, v = jnp.split(h, 2, axis=-1)
        y = (u * jax.nn.silu(v)) @ Wout[e].T
        out = out + w * y
    return out.reshape(B, T, D)

if __name__ == "__main__":
    import jax
    _d = setup_inputs()
    print(jax.jit(kernel)(*tuple(_d.values())))

</pallas_src>

<mosaic_0001>
#map = affine_map<(d0, d1) -> (0, 0)>
#map1 = affine_map<(d0, d1) -> (0)>
module attributes {stable_mosaic.version = 14 : i64} {
  func.func @_sc_gather_dyn_body(%arg0: i32, %arg1: i32, %arg2: memref<2048x768xf32, #tpu.memory_space<hbm>>, %arg3: memref<12288xi32, #tpu.memory_space<hbm>>, %arg4: memref<16xf32, #tpu.memory_space<hbm>>, %arg5: memref<12288x768xf32, #tpu.memory_space<hbm>>, %arg6: memref<64xi32, #tpu.memory_space<vmem>>, %arg7: memref<64x768xf32, #tpu.memory_space<vmem>>, %arg8: memref<64xi32, #tpu.memory_space<vmem>>, %arg9: memref<64x768xf32, #tpu.memory_space<vmem>>, %arg10: memref<16xf32, #tpu.memory_space<vmem>>, %arg11: memref<!tpu.dma_semaphore, #tpu.memory_space<semaphore_mem>>, %arg12: memref<!tpu.dma_semaphore, #tpu.memory_space<semaphore_mem>>) attributes {dimension_semantics = [#tpu.dimension_semantics<core_parallel>, #tpu.dimension_semantics<subcore_parallel>], iteration_bounds = array<i64: 2, 16>, scalar_prefetch = 0 : i64, scratch_operands = 7 : i64, tpu.core_type = #tpu.core_type<sc_vector_subcore>, window_params = [{transform_indices = #map}, {transform_indices = #map1}, {transform_indices = #map1}, {transform_indices = #map}]} {
    %mul3A = arith.constant 2 : i32
    %mul3A_0 = arith.muli %arg1, %mul3A : i32
    %add3A = arith.addi %mul3A_0, %arg0 : i32
    "tpu.region"() ({
      %run_scoped3A = tpu.sem_alloc : memref<!tpu.dma_semaphore, #tpu.memory_space<semaphore_mem>>
      tpu.enqueue_dma source(%arg4 : memref<16xf32, #tpu.memory_space<hbm>>) target(%arg10 : memref<16xf32, #tpu.memory_space<vmem>>) target_semaphore(%run_scoped3A : memref<!tpu.dma_semaphore, #tpu.memory_space<semaphore_mem>>)
      tpu.wait_dma2 semaphore(%run_scoped3A : memref<!tpu.dma_semaphore, #tpu.memory_space<semaphore_mem>>) src(%arg4 : memref<16xf32, #tpu.memory_space<hbm>>) dst(%arg10 : memref<16xf32, #tpu.memory_space<vmem>>)
      tpu.yield
    }) : () -> ()
    %get3A = arith.constant 0 : index
    %get3A_1 = tpu.vector_load %arg10[%get3A] {strides = array<i32>} : memref<16xf32, #tpu.memory_space<vmem>>, vector<16xf32>,
    %reduce_max3A = arith.constant true
    %reduce_max3A_2 = vector.broadcast %reduce_max3A : i1 to vector<16xi1>
    %reduce_max3A_3 = tpu.scan <max>, %get3A_1 masked %reduce_max3A_2 : vector<16xf32>, vector<16xi1> -> vector<16xf32>
    %reduce_max3A_4 = vector.extract %reduce_max3A_3[15] : f32 from vector<16xf32>
    %convert_element_type3A = arith.fptosi %reduce_max3A_4 : f32 to i32
    %mul3A_5 = arith.constant 64 : i32
    %mul3A_6 = arith.muli %convert_element_type3A, %mul3A_5 : i32
    %mul3A_7 = arith.muli %add3A, %mul3A_6 : i32
    %gt3A = arith.constant 0 : i32
    %gt3A_8 = arith.cmpi sgt, %convert_element_type3A, %gt3A : i32
    %convert_element_type3A_9 = arith.extui %gt3A_8 : i1 to i32
    %cond3A = arith.constant 0 : i32
    %cond3A_10 = arith.cmpi ne, %convert_element_type3A_9, %cond3A : i32
    scf.if %cond3A_10 {
      %add3A_66 = arith.constant 0 : i32
      %add3A_67 = arith.addi %mul3A_7, %add3A_66 : i32
      "tpu.region"() ({
        %run_scoped3A = tpu.sem_alloc : memref<!tpu.dma_semaphore, #tpu.memory_space<semaphore_mem>>
        %dma_start3A_70 = tpu.memref_slice %arg3[%add3A_67] : memref<12288xi32, #tpu.memory_space<hbm>> -> memref<64xi32, #tpu.memory_space<hbm>>
        %dma_start3A_71 = tpu.memref_slice %arg3[%add3A_67] : memref<12288xi32, #tpu.memory_space<hbm>> -> memref<64xi32, #tpu.memory_space<hbm>>
        tpu.enqueue_dma source(%dma_start3A_71 : memref<64xi32, #tpu.memory_space<hbm>>) target(%arg6 : memref<64xi32, #tpu.memory_space<vmem>>) target_semaphore(%run_scoped3A : memref<!tpu.dma_semaphore, #tpu.memory_space<semaphore_mem>>)
        %dma_wait3A = tpu.memref_slice %arg3[%add3A_67] : memref<12288xi32, #tpu.memory_space<hbm>> -> memref<64xi32, #tpu.memory_space<hbm>>
        %dma_wait3A_72 = tpu.memref_slice %arg3[%add3A_67] : memref<12288xi32, #tpu.memory_space<hbm>> -> memref<64xi32, #tpu.memory_space<hbm>>
        tpu.wait_dma2 semaphore(%run_scoped3A : memref<!tpu.dma_semaphore, #tpu.memory_space<semaphore_mem>>) src(%dma_wait3A_72 : memref<64xi32, #tpu.memory_space<hbm>>) dst(%arg6 : memref<64xi32, #tpu.memory_space<vmem>>)
        tpu.yield
      }) : () -> ()
      %dma_start3A = arith.constant 0 : i32
      %dma_start3A_68 = arith.constant 0 : i32
      %dma_start3A_69 = tpu.memref_slice %arg2[%dma_start3A, %dma_start3A_68] : memref<2048x768xf32, #tpu.memory_space<hbm>> -> memref<2048x768xf32, #tpu.memory_space<hbm>>
      tpu.enqueue_indirect_dma source(%dma_start3A_69 : memref<2048x768xf32, #tpu.memory_space<hbm>>) target(%arg7 : memref<64x768xf32, #tpu.memory_space<vmem>>) offsets(%arg6 : memref<64xi32, #tpu.memory_space<vmem>>) semaphore(%arg11 : memref<!tpu.dma_semaphore, #tpu.memory_space<semaphore_mem>>)
    } else {
    }
    %gt3A_11 = arith.constant 1 : i32
    %gt3A_12 = arith.cmpi sgt, %convert_element_type3A, %gt3A_11 : i32
    %convert_element_type3A_13 = arith.extui %gt3A_12 : i1 to i32
    %cond3A_14 = arith.constant 0 : i32
    %cond3A_15 = arith.cmpi ne, %convert_element_type3A_13, %cond3A_14 : i32
    scf.if %cond3A_15 {
      %add3A_66 = arith.constant 64 : i32
      %add3A_67 = arith.addi %mul3A_7, %add3A_66 : i32
      "tpu.region"() ({
        %run_scoped3A = tpu.sem_alloc : memref<!tpu.dma_semaphore, #tpu.memory_space<semaphore_mem>>
        %dma_start3A_70 = tpu.memref_slice %arg3[%add3A_67] : memref<12288xi32, #tpu.memory_space<hbm>> -> memref<64xi32, #tpu.memory_space<hbm>>
        %dma_start3A_71 = tpu.memref_slice %arg3[%add3A_67] : memref<12288xi32, #tpu.memory_space<hbm>> -> memref<64xi32, #tpu.memory_space<hbm>>
        tpu.enqueue_dma source(%dma_start3A_71 : memref<64xi32, #tpu.memory_space<hbm>>) target(%arg8 : memref<64xi32, #tpu.memory_space<vmem>>) target_semaphore(%run_scoped3A : memref<!tpu.dma_semaphore, #tpu.memory_space<semaphore_mem>>)
        %dma_wait3A = tpu.memref_slice %arg3[%add3A_67] : memref<12288xi32, #tpu.memory_space<hbm>> -> memref<64xi32, #tpu.memory_space<hbm>>
        %dma_wait3A_72 = tpu.memref_slice %arg3[%add3A_67] : memref<12288xi32, #tpu.memory_space<hbm>> -> memref<64xi32, #tpu.memory_space<hbm>>
        tpu.wait_dma2 semaphore(%run_scoped3A : memref<!tpu.dma_semaphore, #tpu.memory_space<semaphore_mem>>) src(%dma_wait3A_72 : memref<64xi32, #tpu.memory_space<hbm>>) dst(%arg8 : memref<64xi32, #tpu.memory_space<vmem>>)
        tpu.yield
      }) : () -> ()
      %dma_start3A = arith.constant 0 : i32
      %dma_start3A_68 = arith.constant 0 : i32
      %dma_start3A_69 = tpu.memref_slice %arg2[%dma_start3A, %dma_start3A_68] : memref<2048x768xf32, #tpu.memory_space<hbm>> -> memref<2048x768xf32, #tpu.memory_space<hbm>>
      tpu.enqueue_indirect_dma source(%dma_start3A_69 : memref<2048x768xf32, #tpu.memory_space<hbm>>) target(%arg9 : memref<64x768xf32, #tpu.memory_space<vmem>>) offsets(%arg8 : memref<64xi32, #tpu.memory_space<vmem>>) semaphore(%arg12 : memref<!tpu.dma_semaphore, #tpu.memory_space<semaphore_mem>>)
    } else {
    }
    %gt3A_16 = arith.constant 0 : i32
    %gt3A_17 = arith.cmpi sgt, %convert_element_type3A, %gt3A_16 : i32
    %convert_element_type3A_18 = arith.extui %gt3A_17 : i1 to i32
    %cond3A_19 = arith.constant 0 : i32
    %cond3A_20 = arith.cmpi ne, %convert_element_type3A_18, %cond3A_19 : i32
    scf.if %cond3A_20 {
      %dma_wait3A = arith.constant 0 : i32
      %dma_wait3A_66 = arith.constant 0 : i32
      %dma_wait3A_67 = tpu.memref_slice %arg2[%dma_wait3A, %dma_wait3A_66] : memref<2048x768xf32, #tpu.memory_space<hbm>> -> memref<2048x768xf32, #tpu.memory_space<hbm>>
      tpu.wait_indirect_dma semaphore(%arg11 : memref<!tpu.dma_semaphore, #tpu.memory_space<semaphore_mem>>) src(%dma_wait3A_67 : memref<2048x768xf32, #tpu.memory_space<hbm>>) dst(%arg7 : memref<64x768xf32, #tpu.memory_space<vmem>>)
      %add3A_68 = arith.constant 0 : i32
      %add3A_69 = arith.addi %mul3A_7, %add3A_68 : i32
      "tpu.region"() ({
        %run_scoped3A = tpu.sem_alloc : memref<!tpu.dma_semaphore, #tpu.memory_space<semaphore_mem>>
        %dma_start3A = arith.constant 0 : i32
        %dma_start3A_70 = tpu.memref_slice %arg5[%add3A_69, %dma_start3A] : memref<12288x768xf32, #tpu.memory_space<hbm>> -> memref<64x768xf32, #tpu.memory_space<hbm>>
        %dma_start3A_71 = arith.constant 0 : i32
        %dma_start3A_72 = tpu.memref_slice %arg5[%add3A_69, %dma_start3A_71] : memref<12288x768xf32, #tpu.memory_space<hbm>> -> memref<64x768xf32, #tpu.memory_space<hbm>>
        tpu.enqueue_dma source(%arg7 : memref<64x768xf32, #tpu.memory_space<vmem>>) target(%dma_start3A_72 : memref<64x768xf32, #tpu.memory_space<hbm>>) target_semaphore(%run_scoped3A : memref<!tpu.dma_semaphore, #tpu.memory_space<semaphore_mem>>)
        %dma_wait3A_73 = arith.constant 0 : i32
        %dma_wait3A_74 = tpu.memref_slice %arg5[%add3A_69, %dma_wait3A_73] : memref<12288x768xf32, #tpu.memory_space<hbm>> -> memref<64x768xf32, #tpu.memory_space<hbm>>
        %dma_wait3A_75 = arith.constant 0 : i32
        %dma_wait3A_76 = tpu.memref_slice %arg5[%add3A_69, %dma_wait3A_75] : memref<12288x768xf32, #tpu.memory_space<hbm>> -> memref<64x768xf32, #tpu.memory_space<hbm>>
        tpu.wait_dma2 semaphore(%run_scoped3A : memref<!tpu.dma_semaphore, #tpu.memory_space<semaphore_mem>>) src(%arg7 : memref<64x768xf32, #tpu.memory_space<vmem>>) dst(%dma_wait3A_76 : memref<64x768xf32, #tpu.memory_space<hbm>>)
        tpu.yield
      }) : () -> ()
    } else {
    }
    %gt3A_21 = arith.constant 2 : i32
    %gt3A_22 = arith.cmpi sgt, %convert_element_type3A, %gt3A_21 : i32
    %convert_element_type3A_23 = arith.extui %gt3A_22 : i1 to i32
    %cond3A_24 = arith.constant 0 : i32
    %cond3A_25 = arith.cmpi ne, %convert_element_type3A_23, %cond3A_24 : i32
    scf.if %cond3A_25 {
      %add3A_66 = arith.constant 128 : i32
      %add3A_67 = arith.addi %mul3A_7, %add3A_66 : i32
      "tpu.region"() ({
        %run_scoped3A = tpu.sem_alloc : memref<!tpu.dma_semaphore, #tpu.memory_space<semaphore_mem>>
        %dma_start3A_70 = tpu.memref_slice %arg3[%add3A_67] : memref<12288xi32, #tpu.memory_space<hbm>> -> memref<64xi32, #tpu.memory_space<hbm>>
        %dma_start3A_71 = tpu.memref_slice %arg3[%add3A_67] : memref<12288xi32, #tpu.memory_space<hbm>> -> memref<64xi32, #tpu.memory_space<hbm>>
        tpu.enqueue_dma source(%dma_start3A_71 : memref<64xi32, #tpu.memory_space<hbm>>) target(%arg6 : memref<64xi32, #tpu.memory_space<vmem>>) target_semaphore(%run_scoped3A : memref<!tpu.dma_semaphore, #tpu.memory_space<semaphore_mem>>)
        %dma_wait3A = tpu.memref_slice %arg3[%add3A_67] : memref<12288xi32, #tpu.memory_space<hbm>> -> memref<64xi32, #tpu.memory_space<hbm>>
        %dma_wait3A_72 = tpu.memref_slice %arg3[%add3A_67] : memref<12288xi32, #tpu.memory_space<hbm>> -> memref<64xi32, #tpu.memory_space<hbm>>
        tpu.wait_dma2 semaphore(%run_scoped3A : memref<!tpu.dma_semaphore, #tpu.memory_space<semaphore_mem>>) src(%dma_wait3A_72 : memref<64xi32, #tpu.memory_space<hbm>>) dst(%arg6 : memref<64xi32, #tpu.memory_space<vmem>>)
        tpu.yield
      }) : () -> ()
      %dma_start3A = arith.constant 0 : i32
      %dma_start3A_68 = arith.constant 0 : i32
      %dma_start3A_69 = tpu.memref_slice %arg2[%dma_start3A, %dma_start3A_68] : memref<2048x768xf32, #tpu.memory_space<hbm>> -> memref<2048x768xf32, #tpu.memory_space<hbm>>
      tpu.enqueue_indirect_dma source(%dma_start3A_69 : memref<2048x768xf32, #tpu.memory_space<hbm>>) target(%arg7 : memref<64x768xf32, #tpu.memory_space<vmem>>) offsets(%arg6 : memref<64xi32, #tpu.memory_space<vmem>>) semaphore(%arg11 : memref<!tpu.dma_semaphore, #tpu.memory_space<semaphore_mem>>)
    } else {
    }
    %gt3A_26 = arith.constant 1 : i32
    %gt3A_27 = arith.cmpi sgt, %convert_element_type3A, %gt3A_26 : i32
    %convert_element_type3A_28 = arith.extui %gt3A_27 : i1 to i32
    %cond3A_29 = arith.constant 0 : i32
    %cond3A_30 = arith.cmpi ne, %convert_element_type3A_28, %cond3A_29 : i32
    scf.if %cond3A_30 {
      %dma_wait3A = arith.constant 0 : i32
      %dma_wait3A_66 = arith.constant 0 : i32
      %dma_wait3A_67 = tpu.memref_slice %arg2[%dma_wait3A, %dma_wait3A_66] : memref<2048x768xf32, #tpu.memory_space<hbm>> -> memref<2048x768xf32, #tpu.memory_space<hbm>>
      tpu.wait_indirect_dma semaphore(%arg12 : memref<!tpu.dma_semaphore, #tpu.memory_space<semaphore_mem>>) src(%dma_wait3A_67 : memref<2048x768xf32, #tpu.memory_space<hbm>>) dst(%arg9 : memref<64x768xf32, #tpu.memory_space<vmem>>)
      %add3A_68 = arith.constant 64 : i32
      %add3A_69 = arith.addi %mul3A_7, %add3A_68 : i32
      "tpu.region"() ({
        %run_scoped3A = tpu.sem_alloc : memref<!tpu.dma_semaphore, #tpu.memory_space<semaphore_mem>>
        %dma_start3A = arith.constant 0 : i32
        %dma_start3A_70 = tpu.memref_slice %arg5[%add3A_69, %dma_start3A] : memref<12288x768xf32, #tpu.memory_space<hbm>> -> memref<64x768xf32, #tpu.memory_space<hbm>>
        %dma_start3A_71 = arith.constant 0 : i32
        %dma_start3A_72 = tpu.memref_slice %arg5[%add3A_69, %dma_start3A_71] : memref<12288x768xf32, #tpu.memory_space<hbm>> -> memref<64x768xf32, #tpu.memory_space<hbm>>
        tpu.enqueue_dma source(%arg9 : memref<64x768xf32, #tpu.memory_space<vmem>>) target(%dma_start3A_72 : memref<64x768xf32, #tpu.memory_space<hbm>>) target_semaphore(%run_scoped3A : memref<!tpu.dma_semaphore, #tpu.memory_space<semaphore_mem>>)
        %dma_wait3A_73 = arith.constant 0 : i32
        %dma_wait3A_74 = tpu.memref_slice %arg5[%add3A_69, %dma_wait3A_73] : memref<12288x768xf32, #tpu.memory_space<hbm>> -> memref<64x768xf32, #tpu.memory_space<hbm>>
        %dma_wait3A_75 = arith.constant 0 : i32
        %dma_wait3A_76 = tpu.memref_slice %arg5[%add3A_69, %dma_wait3A_75] : memref<12288x768xf32, #tpu.memory_space<hbm>> -> memref<64x768xf32, #tpu.memory_space<hbm>>
        tpu.wait_dma2 semaphore(%run_scoped3A : memref<!tpu.dma_semaphore, #tpu.memory_space<semaphore_mem>>) src(%arg9 : memref<64x768xf32, #tpu.memory_space<vmem>>) dst(%dma_wait3A_76 : memref<64x768xf32, #tpu.memory_space<hbm>>)
        tpu.yield
      }) : () -> ()
    } else {
    }
    %gt3A_31 = arith.constant 3 : i32
    %gt3A_32 = arith.cmpi sgt, %convert_element_type3A, %gt3A_31 : i32
    %convert_element_type3A_33 = arith.extui %gt3A_32 : i1 to i32
    %cond3A_34 = arith.constant 0 : i32
    %cond3A_35 = arith.cmpi ne, %convert_element_type3A_33, %cond3A_34 : i32
    scf.if %cond3A_35 {
      %add3A_66 = arith.constant 192 : i32
      %add3A_67 = arith.addi %mul3A_7, %add3A_66 : i32
      "tpu.region"() ({
        %run_scoped3A = tpu.sem_alloc : memref<!tpu.dma_semaphore, #tpu.memory_space<semaphore_mem>>
        %dma_start3A_70 = tpu.memref_slice %arg3[%add3A_67] : memref<12288xi32, #tpu.memory_space<hbm>> -> memref<64xi32, #tpu.memory_space<hbm>>
        %dma_start3A_71 = tpu.memref_slice %arg3[%add3A_67] : memref<12288xi32, #tpu.memory_space<hbm>> -> memref<64xi32, #tpu.memory_space<hbm>>
        tpu.enqueue_dma source(%dma_start3A_71 : memref<64xi32, #tpu.memory_space<hbm>>) target(%arg8 : memref<64xi32, #tpu.memory_space<vmem>>) target_semaphore(%run_scoped3A : memref<!tpu.dma_semaphore, #tpu.memory_space<semaphore_mem>>)
        %dma_wait3A = tpu.memref_slice %arg3[%add3A_67] : memref<12288xi32, #tpu.memory_space<hbm>> -> memref<64xi32, #tpu.memory_space<hbm>>
        %dma_wait3A_72 = tpu.memref_slice %arg3[%add3A_67] : memref<12288xi32, #tpu.memory_space<hbm>> -> memref<64xi32, #tpu.memory_space<hbm>>
        tpu.wait_dma2 semaphore(%run_scoped3A : memref<!tpu.dma_semaphore, #tpu.memory_space<semaphore_mem>>) src(%dma_wait3A_72 : memref<64xi32, #tpu.memory_space<hbm>>) dst(%arg8 : memref<64xi32, #tpu.memory_space<vmem>>)
        tpu.yield
      }) : () -> ()
      %dma_start3A = arith.constant 0 : i32
      %dma_start3A_68 = arith.constant 0 : i32
      %dma_start3A_69 = tpu.memref_slice %arg2[%dma_start3A, %dma_start3A_68] : memref<2048x768xf32, #tpu.memory_space<hbm>> -> memref<2048x768xf32, #tpu.memory_space<hbm>>
      tpu.enqueue_indirect_dma source(%dma_start3A_69 : memref<2048x768xf32, #tpu.memory_space<hbm>>) target(%arg9 : memref<64x768xf32, #tpu.memory_space<vmem>>) offsets(%arg8 : memref<64xi32, #tpu.memory_space<vmem>>) semaphore(%arg12 : memref<!tpu.dma_semaphore, #tpu.memory_space<semaphore_mem>>)
    } else {
    }
    %gt3A_36 = arith.constant 2 : i32
    %gt3A_37 = arith.cmpi sgt, %convert_element_type3A, %gt3A_36 : i32
    %convert_element_type3A_38 = arith.extui %gt3A_37 : i1 to i32
    %cond3A_39 = arith.constant 0 : i32
    %cond3A_40 = arith.cmpi ne, %convert_element_type3A_38, %cond3A_39 : i32
    scf.if %cond3A_40 {
      %dma_wait3A = arith.constant 0 : i32
      %dma_wait3A_66 = arith.constant 0 : i32
      %dma_wait3A_67 = tpu.memref_slice %arg2[%dma_wait3A, %dma_wait3A_66] : memref<2048x768xf32, #tpu.memory_space<hbm>> -> memref<2048x768xf32, #tpu.memory_space<hbm>>
      tpu.wait_indirect_dma semaphore(%arg11 : memref<!tpu.dma_semaphore, #tpu.memory_space<semaphore_mem>>) src(%dma_wait3A_67 : memref<2048x768xf32, #tpu.memory_space<hbm>>) dst(%arg7 : memref<64x768xf32, #tpu.memory_space<vmem>>)
      %add3A_68 = arith.constant 128 : i32
      %add3A_69 = arith.addi %mul3A_7, %add3A_68 : i32
      "tpu.region"() ({
        %run_scoped3A = tpu.sem_alloc : memref<!tpu.dma_semaphore, #tpu.memory_space<semaphore_mem>>
        %dma_start3A = arith.constant 0 : i32
        %dma_start3A_70 = tpu.memref_slice %arg5[%add3A_69, %dma_start3A] : memref<12288x768xf32, #tpu.memory_space<hbm>> -> memref<64x768xf32, #tpu.memory_space<hbm>>
        %dma_start3A_71 = arith.constant 0 : i32
        %dma_start3A_72 = tpu.memref_slice %arg5[%add3A_69, %dma_start3A_71] : memref<12288x768xf32, #tpu.memory_space<hbm>> -> memref<64x768xf32, #tpu.memory_space<hbm>>
        tpu.enqueue_dma source(%arg7 : memref<64x768xf32, #tpu.memory_space<vmem>>) target(%dma_start3A_72 : memref<64x768xf32, #tpu.memory_space<hbm>>) target_semaphore(%run_scoped3A : memref<!tpu.dma_semaphore, #tpu.memory_space<semaphore_mem>>)
        %dma_wait3A_73 = arith.constant 0 : i32
        %dma_wait3A_74 = tpu.memref_slice %arg5[%add3A_69, %dma_wait3A_73] : memref<12288x768xf32, #tpu.memory_space<hbm>> -> memref<64x768xf32, #tpu.memory_space<hbm>>
        %dma_wait3A_75 = arith.constant 0 : i32
        %dma_wait3A_76 = tpu.memref_slice %arg5[%add3A_69, %dma_wait3A_75] : memref<12288x768xf32, #tpu.memory_space<hbm>> -> memref<64x768xf32, #tpu.memory_space<hbm>>
        tpu.wait_dma2 semaphore(%run_scoped3A : memref<!tpu.dma_semaphore, #tpu.memory_space<semaphore_mem>>) src(%arg7 : memref<64x768xf32, #tpu.memory_space<vmem>>) dst(%dma_wait3A_76 : memref<64x768xf32, #tpu.memory_space<hbm>>)
        tpu.yield
      }) : () -> ()
    } else {
    }
    %gt3A_41 = arith.constant 4 : i32
    %gt3A_42 = arith.cmpi sgt, %convert_element_type3A, %gt3A_41 : i32
    %convert_element_type3A_43 = arith.extui %gt3A_42 : i1 to i32
    %cond3A_44 = arith.constant 0 : i32
    %cond3A_45 = arith.cmpi ne, %convert_element_type3A_43, %cond3A_44 : i32
    scf.if %cond3A_45 {
      %add3A_66 = arith.constant 256 : i32
      %add3A_67 = arith.addi %mul3A_7, %add3A_66 : i32
      "tpu.region"() ({
        %run_scoped3A = tpu.sem_alloc : memref<!tpu.dma_semaphore, #tpu.memory_space<semaphore_mem>>
        %dma_start3A_70 = tpu.memref_slice %arg3[%add3A_67] : memref<12288xi32, #tpu.memory_space<hbm>> -> memref<64xi32, #tpu.memory_space<hbm>>
        %dma_start3A_71 = tpu.memref_slice %arg3[%add3A_67] : memref<12288xi32, #tpu.memory_space<hbm>> -> memref<64xi32, #tpu.memory_space<hbm>>
        tpu.enqueue_dma source(%dma_start3A_71 : memref<64xi32, #tpu.memory_space<hbm>>) target(%arg6 : memref<64xi32, #tpu.memory_space<vmem>>) target_semaphore(%run_scoped3A : memref<!tpu.dma_semaphore, #tpu.memory_space<semaphore_mem>>)
        %dma_wait3A = tpu.memref_slice %arg3[%add3A_67] : memref<12288xi32, #tpu.memory_space<hbm>> -> memref<64xi32, #tpu.memory_space<hbm>>
        %dma_wait3A_72 = tpu.memref_slice %arg3[%add3A_67] : memref<12288xi32, #tpu.memory_space<hbm>> -> memref<64xi32, #tpu.memory_space<hbm>>
        tpu.wait_dma2 semaphore(%run_scoped3A : memref<!tpu.dma_semaphore, #tpu.memory_space<semaphore_mem>>) src(%dma_wait3A_72 : memref<64xi32, #tpu.memory_space<hbm>>) dst(%arg6 : memref<64xi32, #tpu.memory_space<vmem>>)
        tpu.yield
      }) : () -> ()
      %dma_start3A = arith.constant 0 : i32
      %dma_start3A_68 = arith.constant 0 : i32
      %dma_start3A_69 = tpu.memref_slice %arg2[%dma_start3A, %dma_start3A_68] : memref<2048x768xf32, #tpu.memory_space<hbm>> -> memref<2048x768xf32, #tpu.memory_space<hbm>>
      tpu.enqueue_indirect_dma source(%dma_start3A_69 : memref<2048x768xf32, #tpu.memory_space<hbm>>) target(%arg7 : memref<64x768xf32, #tpu.memory_space<vmem>>) offsets(%arg6 : memref<64xi32, #tpu.memory_space<vmem>>) semaphore(%arg11 : memref<!tpu.dma_semaphore, #tpu.memory_space<semaphore_mem>>)
    } else {
    }
    %gt3A_46 = arith.constant 3 : i32
    %gt3A_47 = arith.cmpi sgt, %convert_element_type3A, %gt3A_46 : i32
    %convert_element_type3A_48 = arith.extui %gt3A_47 : i1 to i32
    %cond3A_49 = arith.constant 0 : i32
    %cond3A_50 = arith.cmpi ne, %convert_element_type3A_48, %cond3A_49 : i32
    scf.if %cond3A_50 {
      %dma_wait3A = arith.constant 0 : i32
      %dma_wait3A_66 = arith.constant 0 : i32
      %dma_wait3A_67 = tpu.memref_slice %arg2[%dma_wait3A, %dma_wait3A_66] : memref<2048x768xf32, #tpu.memory_space<hbm>> -> memref<2048x768xf32, #tpu.memory_space<hbm>>
      tpu.wait_indirect_dma semaphore(%arg12 : memref<!tpu.dma_semaphore, #tpu.memory_space<semaphore_mem>>) src(%dma_wait3A_67 : memref<2048x768xf32, #tpu.memory_space<hbm>>) dst(%arg9 : memref<64x768xf32, #tpu.memory_space<vmem>>)
      %add3A_68 = arith.constant 192 : i32
      %add3A_69 = arith.addi %mul3A_7, %add3A_68 : i32
      "tpu.region"() ({
        %run_scoped3A = tpu.sem_alloc : memref<!tpu.dma_semaphore, #tpu.memory_space<semaphore_mem>>
        %dma_start3A = arith.constant 0 : i32
        %dma_start3A_70 = tpu.memref_slice %arg5[%add3A_69, %dma_start3A] : memref<12288x768xf32, #tpu.memory_space<hbm>> -> memref<64x768xf32, #tpu.memory_space<hbm>>
        %dma_start3A_71 = arith.constant 0 : i32
        %dma_start3A_72 = tpu.memref_slice %arg5[%add3A_69, %dma_start3A_71] : memref<12288x768xf32, #tpu.memory_space<hbm>> -> memref<64x768xf32, #tpu.memory_space<hbm>>
        tpu.enqueue_dma source(%arg9 : memref<64x768xf32, #tpu.memory_space<vmem>>) target(%dma_start3A_72 : memref<64x768xf32, #tpu.memory_space<hbm>>) target_semaphore(%run_scoped3A : memref<!tpu.dma_semaphore, #tpu.memory_space<semaphore_mem>>)
        %dma_wait3A_73 = arith.constant 0 : i32
        %dma_wait3A_74 = tpu.memref_slice %arg5[%add3A_69, %dma_wait3A_73] : memref<12288x768xf32, #tpu.memory_space<hbm>> -> memref<64x768xf32, #tpu.memory_space<hbm>>
        %dma_wait3A_75 = arith.constant 0 : i32
        %dma_wait3A_76 = tpu.memref_slice %arg5[%add3A_69, %dma_wait3A_75] : memref<12288x768xf32, #tpu.memory_space<hbm>> -> memref<64x768xf32, #tpu.memory_space<hbm>>
        tpu.wait_dma2 semaphore(%run_scoped3A : memref<!tpu.dma_semaphore, #tpu.memory_space<semaphore_mem>>) src(%arg9 : memref<64x768xf32, #tpu.memory_space<vmem>>) dst(%dma_wait3A_76 : memref<64x768xf32, #tpu.memory_space<hbm>>)
        tpu.yield
      }) : () -> ()
    } else {
    }
    %gt3A_51 = arith.constant 5 : i32
    %gt3A_52 = arith.cmpi sgt, %convert_element_type3A, %gt3A_51 : i32
    %convert_element_type3A_53 = arith.extui %gt3A_52 : i1 to i32
    %cond3A_54 = arith.constant 0 : i32
    %cond3A_55 = arith.cmpi ne, %convert_element_type3A_53, %cond3A_54 : i32
    scf.if %cond3A_55 {
      %add3A_66 = arith.constant 320 : i32
      %add3A_67 = arith.addi %mul3A_7, %add3A_66 : i32
      "tpu.region"() ({
        %run_scoped3A = tpu.sem_alloc : memref<!tpu.dma_semaphore, #tpu.memory_space<semaphore_mem>>
        %dma_start3A_70 = tpu.memref_slice %arg3[%add3A_67] : memref<12288xi32, #tpu.memory_space<hbm>> -> memref<64xi32, #tpu.memory_space<hbm>>
        %dma_start3A_71 = tpu.memref_slice %arg3[%add3A_67] : memref<12288xi32, #tpu.memory_space<hbm>> -> memref<64xi32, #tpu.memory_space<hbm>>
        tpu.enqueue_dma source(%dma_start3A_71 : memref<64xi32, #tpu.memory_space<hbm>>) target(%arg8 : memref<64xi32, #tpu.memory_space<vmem>>) target_semaphore(%run_scoped3A : memref<!tpu.dma_semaphore, #tpu.memory_space<semaphore_mem>>)
        %dma_wait3A = tpu.memref_slice %arg3[%add3A_67] : memref<12288xi32, #tpu.memory_space<hbm>> -> memref<64xi32, #tpu.memory_space<hbm>>
        %dma_wait3A_72 = tpu.memref_slice %arg3[%add3A_67] : memref<12288xi32, #tpu.memory_space<hbm>> -> memref<64xi32, #tpu.memory_space<hbm>>
        tpu.wait_dma2 semaphore(%run_scoped3A : memref<!tpu.dma_semaphore, #tpu.memory_space<semaphore_mem>>) src(%dma_wait3A_72 : memref<64xi32, #tpu.memory_space<hbm>>) dst(%arg8 : memref<64xi32, #tpu.memory_space<vmem>>)
        tpu.yield
      }) : () -> ()
      %dma_start3A = arith.constant 0 : i32
      %dma_start3A_68 = arith.constant 0 : i32
      %dma_start3A_69 = tpu.memref_slice %arg2[%dma_start3A, %dma_start3A_68] : memref<2048x768xf32, #tpu.memory_space<hbm>> -> memref<2048x768xf32, #tpu.memory_space<hbm>>
      tpu.enqueue_indirect_dma source(%dma_start3A_69 : memref<2048x768xf32, #tpu.memory_space<hbm>>) target(%arg9 : memref<64x768xf32, #tpu.memory_space<vmem>>) offsets(%arg8 : memref<64xi32, #tpu.memory_space<vmem>>) semaphore(%arg12 : memref<!tpu.dma_semaphore, #tpu.memory_space<semaphore_mem>>)
    } else {
    }
    %gt3A_56 = arith.constant 4 : i32
    %gt3A_57 = arith.cmpi sgt, %convert_element_type3A, %gt3A_56 : i32
    %convert_element_type3A_58 = arith.extui %gt3A_57 : i1 to i32
    %cond3A_59 = arith.constant 0 : i32
    %cond3A_60 = arith.cmpi ne, %convert_element_type3A_58, %cond3A_59 : i32
    scf.if %cond3A_60 {
      %dma_wait3A = arith.constant 0 : i32
      %dma_wait3A_66 = arith.constant 0 : i32
      %dma_wait3A_67 = tpu.memref_slice %arg2[%dma_wait3A, %dma_wait3A_66] : memref<2048x768xf32, #tpu.memory_space<hbm>> -> memref<2048x768xf32, #tpu.memory_space<hbm>>
      tpu.wait_indirect_dma semaphore(%arg11 : memref<!tpu.dma_semaphore, #tpu.memory_space<semaphore_mem>>) src(%dma_wait3A_67 : memref<2048x768xf32, #tpu.memory_space<hbm>>) dst(%arg7 : memref<64x768xf32, #tpu.memory_space<vmem>>)
      %add3A_68 = arith.constant 256 : i32
      %add3A_69 = arith.addi %mul3A_7, %add3A_68 : i32
      "tpu.region"() ({
        %run_scoped3A = tpu.sem_alloc : memref<!tpu.dma_semaphore, #tpu.memory_space<semaphore_mem>>
        %dma_start3A = arith.constant 0 : i32
        %dma_start3A_70 = tpu.memref_slice %arg5[%add3A_69, %dma_start3A] : memref<12288x768xf32, #tpu.memory_space<hbm>> -> memref<64x768xf32, #tpu.memory_space<hbm>>
        %dma_start3A_71 = arith.constant 0 : i32
        %dma_start3A_72 = tpu.memref_slice %arg5[%add3A_69, %dma_start3A_71] : memref<12288x768xf32, #tpu.memory_space<hbm>> -> memref<64x768xf32, #tpu.memory_space<hbm>>
        tpu.enqueue_dma source(%arg7 : memref<64x768xf32, #tpu.memory_space<vmem>>) target(%dma_start3A_72 : memref<64x768xf32, #tpu.memory_space<hbm>>) target_semaphore(%run_scoped3A : memref<!tpu.dma_semaphore, #tpu.memory_space<semaphore_mem>>)
        %dma_wait3A_73 = arith.constant 0 : i32
        %dma_wait3A_74 = tpu.memref_slice %arg5[%add3A_69, %dma_wait3A_73] : memref<12288x768xf32, #tpu.memory_space<hbm>> -> memref<64x768xf32, #tpu.memory_space<hbm>>
        %dma_wait3A_75 = arith.constant 0 : i32
        %dma_wait3A_76 = tpu.memref_slice %arg5[%add3A_69, %dma_wait3A_75] : memref<12288x768xf32, #tpu.memory_space<hbm>> -> memref<64x768xf32, #tpu.memory_space<hbm>>
        tpu.wait_dma2 semaphore(%run_scoped3A : memref<!tpu.dma_semaphore, #tpu.memory_space<semaphore_mem>>) src(%arg7 : memref<64x768xf32, #tpu.memory_space<vmem>>) dst(%dma_wait3A_76 : memref<64x768xf32, #tpu.memory_space<hbm>>)
        tpu.yield
      }) : () -> ()
    } else {
    }
    %gt3A_61 = arith.constant 5 : i32
    %gt3A_62 = arith.cmpi sgt, %convert_element_type3A, %gt3A_61 : i32
    %convert_element_type3A_63 = arith.extui %gt3A_62 : i1 to i32
    %cond3A_64 = arith.constant 0 : i32
    %cond3A_65 = arith.cmpi ne, %convert_element_type3A_63, %cond3A_64 : i32
    scf.if %cond3A_65 {
      %dma_wait3A = arith.constant 0 : i32
      %dma_wait3A_66 = arith.constant 0 : i32
      %dma_wait3A_67 = tpu.memref_slice %arg2[%dma_wait3A, %dma_wait3A_66] : memref<2048x768xf32, #tpu.memory_space<hbm>> -> memref<2048x768xf32, #tpu.memory_space<hbm>>
      tpu.wait_indirect_dma semaphore(%arg12 : memref<!tpu.dma_semaphore, #tpu.memory_space<semaphore_mem>>) src(%dma_wait3A_67 : memref<2048x768xf32, #tpu.memory_space<hbm>>) dst(%arg9 : memref<64x768xf32, #tpu.memory_space<vmem>>)
      %add3A_68 = arith.constant 320 : i32
      %add3A_69 = arith.addi %mul3A_7, %add3A_68 : i32
      "tpu.region"() ({
        %run_scoped3A = tpu.sem_alloc : memref<!tpu.dma_semaphore, #tpu.memory_space<semaphore_mem>>
        %dma_start3A = arith.constant 0 : i32
        %dma_start3A_70 = tpu.memref_slice %arg5[%add3A_69, %dma_start3A] : memref<12288x768xf32, #tpu.memory_space<hbm>> -> memref<64x768xf32, #tpu.memory_space<hbm>>
        %dma_start3A_71 = arith.constant 0 : i32
        %dma_start3A_72 = tpu.memref_slice %arg5[%add3A_69, %dma_start3A_71] : memref<12288x768xf32, #tpu.memory_space<hbm>> -> memref<64x768xf32, #tpu.memory_space<hbm>>
        tpu.enqueue_dma source(%arg9 : memref<64x768xf32, #tpu.memory_space<vmem>>) target(%dma_start3A_72 : memref<64x768xf32, #tpu.memory_space<hbm>>) target_semaphore(%run_scoped3A : memref<!tpu.dma_semaphore, #tpu.memory_space<semaphore_mem>>)
        %dma_wait3A_73 = arith.constant 0 : i32
        %dma_wait3A_74 = tpu.memref_slice %arg5[%add3A_69, %dma_wait3A_73] : memref<12288x768xf32, #tpu.memory_space<hbm>> -> memref<64x768xf32, #tpu.memory_space<hbm>>
        %dma_wait3A_75 = arith.constant 0 : i32
        %dma_wait3A_76 = tpu.memref_slice %arg5[%add3A_69, %dma_wait3A_75] : memref<12288x768xf32, #tpu.memory_space<hbm>> -> memref<64x768xf32, #tpu.memory_space<hbm>>
        tpu.wait_dma2 semaphore(%run_scoped3A : memref<!tpu.dma_semaphore, #tpu.memory_space<semaphore_mem>>) src(%arg9 : memref<64x768xf32, #tpu.memory_space<vmem>>) dst(%dma_wait3A_76 : memref<64x768xf32, #tpu.memory_space<hbm>>)
        tpu.yield
      }) : () -> ()
    } else {
    }
    return
  }
}

#map = affine_map<(d0, d1) -> (0, 0)>
#map1 = affine_map<(d0, d1) -> (0)>
module attributes {stable_mosaic.version = 14 : i64} {
  func.func @_sc_gather_body(%arg0: i32, %arg1: i32, %arg2: memref<12288x768xf32, #tpu.memory_space<hbm>>, %arg3: memref<4096xi32, #tpu.memory_space<hbm>>, %arg4: memref<4096x768xf32, #tpu.memory_space<hbm>>, %arg5: memref<128xi32, #tpu.memory_space<vmem>>, %arg6: memref<128x768xf32, #tpu.memory_space<vmem>>, %arg7: memref<!tpu.dma_semaphore, #tpu.memory_space<semaphore_mem>>) attributes {dimension_semantics = [#tpu.dimension_semantics<core_parallel>, #tpu.dimension_semantics<subcore_parallel>], iteration_bounds = array<i64: 2, 16>, scalar_prefetch = 0 : i64, scratch_operands = 3 : i64, tpu.core_type = #tpu.core_type<sc_vector_subcore>, window_params = [{transform_indices = #map}, {transform_indices = #map1}, {transform_indices = #map}]} {
    %mul3A = arith.constant 2 : i32
    %mul3A_0 = arith.muli %arg1, %mul3A : i32
    %add3A = arith.addi %mul3A_0, %arg0 : i32
    %mul3A_1 = arith.constant 128 : i32
    %mul3A_2 = arith.muli %add3A, %mul3A_1 : i32
    %scan3A = arith.constant 0 : i32
    %scan3A_3 = arith.constant 0 : i32
    %mul3A_4 = arith.constant 128 : i32
    %mul3A_5 = arith.muli %scan3A_3, %mul3A_4 : i32
    %add3A_6 = arith.addi %mul3A_2, %mul3A_5 : i32
    "tpu.region"() ({
      %run_scoped3A = tpu.sem_alloc : memref<!tpu.dma_semaphore, #tpu.memory_space<semaphore_mem>>
      %dma_start3A_13 = tpu.memref_slice %arg3[%add3A_6] : memref<4096xi32, #tpu.memory_space<hbm>> -> memref<128xi32, #tpu.memory_space<hbm>>
      %dma_start3A_14 = tpu.memref_slice %arg3[%add3A_6] : memref<4096xi32, #tpu.memory_space<hbm>> -> memref<128xi32, #tpu.memory_space<hbm>>
      tpu.enqueue_dma source(%dma_start3A_14 : memref<128xi32, #tpu.memory_space<hbm>>) target(%arg5 : memref<128xi32, #tpu.memory_space<vmem>>) target_semaphore(%run_scoped3A : memref<!tpu.dma_semaphore, #tpu.memory_space<semaphore_mem>>)
      %dma_wait3A_15 = tpu.memref_slice %arg3[%add3A_6] : memref<4096xi32, #tpu.memory_space<hbm>> -> memref<128xi32, #tpu.memory_space<hbm>>
      %dma_wait3A_16 = tpu.memref_slice %arg3[%add3A_6] : memref<4096xi32, #tpu.memory_space<hbm>> -> memref<128xi32, #tpu.memory_space<hbm>>
      tpu.wait_dma2 semaphore(%run_scoped3A : memref<!tpu.dma_semaphore, #tpu.memory_space<semaphore_mem>>) src(%dma_wait3A_16 : memref<128xi32, #tpu.memory_space<hbm>>) dst(%arg5 : memref<128xi32, #tpu.memory_space<vmem>>)
      tpu.yield
    }) : () -> ()
    %dma_start3A = arith.constant 0 : i32
    %dma_start3A_7 = arith.constant 0 : i32
    %dma_start3A_8 = tpu.memref_slice %arg2[%dma_start3A, %dma_start3A_7] : memref<12288x768xf32, #tpu.memory_space<hbm>> -> memref<12288x768xf32, #tpu.memory_space<hbm>>
    tpu.enqueue_indirect_dma source(%dma_start3A_8 : memref<12288x768xf32, #tpu.memory_space<hbm>>) target(%arg6 : memref<128x768xf32, #tpu.memory_space<vmem>>) offsets(%arg5 : memref<128xi32, #tpu.memory_space<vmem>>) semaphore(%arg7 : memref<!tpu.dma_semaphore, #tpu.memory_space<semaphore_mem>>)
    %dma_wait3A = arith.constant 0 : i32
    %dma_wait3A_9 = arith.constant 0 : i32
    %dma_wait3A_10 = tpu.memref_slice %arg2[%dma_wait3A, %dma_wait3A_9] : memref<12288x768xf32, #tpu.memory_space<hbm>> -> memref<12288x768xf32, #tpu.memory_space<hbm>>
    tpu.wait_indirect_dma semaphore(%arg7 : memref<!tpu.dma_semaphore, #tpu.memory_space<semaphore_mem>>) src(%dma_wait3A_10 : memref<12288x768xf32, #tpu.memory_space<hbm>>) dst(%arg6 : memref<128x768xf32, #tpu.memory_space<vmem>>)
    "tpu.region"() ({
      %run_scoped3A = tpu.sem_alloc : memref<!tpu.dma_semaphore, #tpu.memory_space<semaphore_mem>>
      %dma_start3A_13 = arith.constant 0 : i32
      %dma_start3A_14 = tpu.memref_slice %arg4[%add3A_6, %dma_start3A_13] : memref<4096x768xf32, #tpu.memory_space<hbm>> -> memref<128x768xf32, #tpu.memory_space<hbm>>
      %dma_start3A_15 = arith.constant 0 : i32
      %dma_start3A_16 = tpu.memref_slice %arg4[%add3A_6, %dma_start3A_15] : memref<4096x768xf32, #tpu.memory_space<hbm>> -> memref<128x768xf32, #tpu.memory_space<hbm>>
      tpu.enqueue_dma source(%arg6 : memref<128x768xf32, #tpu.memory_space<vmem>>) target(%dma_start3A_16 : memref<128x768xf32, #tpu.memory_space<hbm>>) target_semaphore(%run_scoped3A : memref<!tpu.dma_semaphore, #tpu.memory_space<semaphore_mem>>)
      %dma_wait3A_17 = arith.constant 0 : i32
      %dma_wait3A_18 = tpu.memref_slice %arg4[%add3A_6, %dma_wait3A_17] : memref<4096x768xf32, #tpu.memory_space<hbm>> -> memref<128x768xf32, #tpu.memory_space<hbm>>
      %dma_wait3A_19 = arith.constant 0 : i32
      %dma_wait3A_20 = tpu.memref_slice %arg4[%add3A_6, %dma_wait3A_19] : memref<4096x768xf32, #tpu.memory_space<hbm>> -> memref<128x768xf32, #tpu.memory_space<hbm>>
      tpu.wait_dma2 semaphore(%run_scoped3A : memref<!tpu.dma_semaphore, #tpu.memory_space<semaphore_mem>>) src(%arg6 : memref<128x768xf32, #tpu.memory_space<vmem>>) dst(%dma_wait3A_20 : memref<128x768xf32, #tpu.memory_space<hbm>>)
      tpu.yield
    }) : () -> ()
    %scan3A_11 = arith.constant 0 : i32
    %scan3A_12 = arith.constant 1 : i32
    return
  }
}

module attributes {stable_mosaic.version = 14 : i64} {
  func.func @_gate_body(%arg0: i32, %arg1: memref<256x768xf32, #tpu.memory_space<vmem>>, %arg2: memref<64x768xf32, #tpu.memory_space<vmem>>, %arg3: memref<256x1xi32, #tpu.memory_space<vmem>>, %arg4: memref<256x1xi32, #tpu.memory_space<vmem>>, %arg5: memref<256x1xf32, #tpu.memory_space<vmem>>, %arg6: memref<256x1xf32, #tpu.memory_space<vmem>>) attributes {dimension_semantics = [#tpu.dimension_semantics<arbitrary>], iteration_bounds = array<i64: 8>, scalar_prefetch = 0 : i64, scratch_operands = 0 : i64, tpu.core_type = #tpu.core_type<tc>, window_params = [{transform_indices = @transform_0, window_bounds = array<i64: 256, 768>}, {pipeline_mode = #tpu.pipeline_mode<synchronous>, transform_indices = @transform_1, window_bounds = array<i64: 64, 768>}, {transform_indices = @transform_2, window_bounds = array<i64: 256, 1>}, {transform_indices = @transform_3, window_bounds = array<i64: 256, 1>}, {transform_indices = @transform_4, window_bounds = array<i64: 256, 1>}, {transform_indices = @transform_5, window_bounds = array<i64: 256, 1>}]} {
    %get3A = arith.constant 0 : index
    %get3A_0 = arith.constant 0 : index
    %get3A_1 = vector.load %arg1[%get3A, %get3A_0] : memref<256x768xf32, #tpu.memory_space<vmem>>, vector<256x768xf32>
    %get3A_2 = arith.constant 0 : index
    %get3A_3 = arith.constant 0 : index
    %get3A_4 = vector.load %arg2[%get3A_2, %get3A_3] : memref<64x768xf32, #tpu.memory_space<vmem>>, vector<64x768xf32>
    %dot_general3A = arith.constant dense<0.000000e+00> : vector<256x64xf32>
    %dot_general3A_5 = tpu.matmul %get3A_1, %get3A_4, %dot_general3A {dimension_numbers = #tpu.dot_dimension_numbers<[1], [1], [0], [0], [0, 0, 1, 0], [], []>, transpose_lhs_hint = false} : vector<256x768xf32>, vector<64x768xf32>, vector<256x64xf32> -> vector<256x64xf32>
    %iota3A = tpu.iota {dimensions = array<i32: 1>} : vector<256x64xi32>
    %reduce_max3A = arith.constant dense<0xFF800000> : vector<256xf32>
    %reduce_max3A_6 = vector.multi_reduction <maximumf>, %dot_general3A_5, %reduce_max3A [1] : vector<256x64xf32> to vector<256xf32>
    %broadcast_in_dim3A = vector.shape_cast %reduce_max3A_6 : vector<256xf32> to vector<256x1xf32>
    %ge3A = vector.broadcast %broadcast_in_dim3A : vector<256x1xf32> to vector<256x64xf32>
    %ge3A_7 = arith.cmpf oge, %dot_general3A_5, %ge3A : vector<256x64xf32>
    %jit3A = arith.constant 64 : i32
    %broadcast_in_dim3A_8 = vector.broadcast %jit3A : i32 to vector<256x64xi32>
    %select_n3A = arith.select %ge3A_7, %iota3A, %broadcast_in_dim3A_8 : vector<256x64xi1>, vector<256x64xi32>
    %reduce_min3A = arith.constant dense<2147483647> : vector<256xi32>
    %reduce_min3A_9 = vector.multi_reduction <minsi>, %select_n3A, %reduce_min3A [1] : vector<256x64xi32> to vector<256xi32>
    %broadcast_in_dim3A_10 = vector.shape_cast %reduce_min3A_9 : vector<256xi32> to vector<256x1xi32>
    %eq3A = vector.broadcast %broadcast_in_dim3A_10 : vector<256x1xi32> to vector<256x64xi32>
    %eq3A_11 = arith.cmpi eq, %iota3A, %eq3A : vector<256x64xi32>
    %jit3A_12 = arith.constant 0xFF800000 : f32
    %broadcast_in_dim3A_13 = vector.broadcast %jit3A_12 : f32 to vector<256x64xf32>
    %select_n3A_14 = arith.select %eq3A_11, %broadcast_in_dim3A_13, %dot_general3A_5 : vector<256x64xi1>, vector<256x64xf32>
    %reduce_max3A_15 = arith.constant dense<0xFF800000> : vector<256xf32>
    %reduce_max3A_16 = vector.multi_reduction <maximumf>, %select_n3A_14, %reduce_max3A_15 [1] : vector<256x64xf32> to vector<256xf32>
    %broadcast_in_dim3A_17 = vector.shape_cast %reduce_max3A_16 : vector<256xf32> to vector<256x1xf32>
    %ge3A_18 = vector.broadcast %broadcast_in_dim3A_17 : vector<256x1xf32> to vector<256x64xf32>
    %ge3A_19 = arith.cmpf oge, %select_n3A_14, %ge3A_18 : vector<256x64xf32>
    %jit3A_20 = arith.constant 64 : i32
    %broadcast_in_dim3A_21 = vector.broadcast %jit3A_20 : i32 to vector<256x64xi32>
    %select_n3A_22 = arith.select %ge3A_19, %iota3A, %broadcast_in_dim3A_21 : vector<256x64xi1>, vector<256x64xi32>
    %reduce_min3A_23 = arith.constant dense<2147483647> : vector<256xi32>
    %reduce_min3A_24 = vector.multi_reduction <minsi>, %select_n3A_22, %reduce_min3A_23 [1] : vector<256x64xi32> to vector<256xi32>
    %broadcast_in_dim3A_25 = vector.shape_cast %reduce_min3A_24 : vector<256xi32> to vector<256x1xi32>
    %sub3A = arith.subf %broadcast_in_dim3A, %broadcast_in_dim3A_17 : vector<256x1xf32>
    %logistic3A = arith.negf %sub3A : vector<256x1xf32>
    %logistic3A_26 = math.exp %logistic3A : vector<256x1xf32>
    %logistic3A_27 = arith.constant 1.000000e+00 : f32
    %logistic3A_28 = vector.broadcast %logistic3A_27 : f32 to vector<256x1xf32>
    %logistic3A_29 = arith.addf %logistic3A_28, %logistic3A_26 : vector<256x1xf32>
    %logistic3A_30 = arith.divf %logistic3A_28, %logistic3A_29 : vector<256x1xf32>
    %swap3A = arith.constant 0 : index
    %swap3A_31 = arith.constant 0 : index
    %swap3A_32 = vector.load %arg3[%swap3A, %swap3A_31] : memref<256x1xi32, #tpu.memory_space<vmem>>, vector<256x1xi32>
    tpu.vector_store %arg3[%swap3A, %swap3A_31], %broadcast_in_dim3A_10 {strides = array<i32>} : memref<256x1xi32, #tpu.memory_space<vmem>>, vector<256x1xi32>,
    %swap3A_33 = arith.constant 0 : index
    %swap3A_34 = arith.constant 0 : index
    %swap3A_35 = vector.load %arg4[%swap3A_33, %swap3A_34] : memref<256x1xi32, #tpu.memory_space<vmem>>, vector<256x1xi32>
    tpu.vector_store %arg4[%swap3A_33, %swap3A_34], %broadcast_in_dim3A_25 {strides = array<i32>} : memref<256x1xi32, #tpu.memory_space<vmem>>, vector<256x1xi32>,
    %swap3A_36 = arith.constant 0 : index
    %swap3A_37 = arith.constant 0 : index
    %swap3A_38 = vector.load %arg5[%swap3A_36, %swap3A_37] : memref<256x1xf32, #tpu.memory_space<vmem>>, vector<256x1xf32>
    tpu.vector_store %arg5[%swap3A_36, %swap3A_37], %logistic3A_30 {strides = array<i32>} : memref<256x1xf32, #tpu.memory_space<vmem>>, vector<256x1xf32>,
    %sub3A_39 = arith.constant 1.000000e+00 : f32
    %sub3A_40 = vector.broadcast %sub3A_39 : f32 to vector<256x1xf32>
    %sub3A_41 = arith.subf %sub3A_40, %logistic3A_30 : vector<256x1xf32>
    %swap3A_42 = arith.constant 0 : index
    %swap3A_43 = arith.constant 0 : index
    %swap3A_44 = vector.load %arg6[%swap3A_42, %swap3A_43] : memref<256x1xf32, #tpu.memory_space<vmem>>, vector<256x1xf32>
    tpu.vector_store %arg6[%swap3A_42, %swap3A_43], %sub3A_41 {strides = array<i32>} : memref<256x1xf32, #tpu.memory_space<vmem>>, vector<256x1xf32>,
    return
  }
  func.func @transform_0(%arg0: i32) -> (i32, i32) {
    %c0_i32 = arith.constant 0 : i32
    %c0_i32_0 = arith.constant 0 : i32
    return %arg0, %c0_i32 : i32, i32
  }
  func.func @transform_1(%arg0: i32) -> (i32, i32) {
    %c0_i32 = arith.constant 0 : i32
    %c0_i32_0 = arith.constant 0 : i32
    %c0_i32_1 = arith.constant 0 : i32
    return %c0_i32, %c0_i32_0 : i32, i32
  }
  func.func @transform_2(%arg0: i32) -> (i32, i32) {
    %c0_i32 = arith.constant 0 : i32
    %c0_i32_0 = arith.constant 0 : i32
    return %arg0, %c0_i32 : i32, i32
  }
  func.func @transform_3(%arg0: i32) -> (i32, i32) {
    %c0_i32 = arith.constant 0 : i32
    %c0_i32_0 = arith.constant 0 : i32
    return %arg0, %c0_i32 : i32, i32
  }
  func.func @transform_4(%arg0: i32) -> (i32, i32) {
    %c0_i32 = arith.constant 0 : i32
    %c0_i32_0 = arith.constant 0 : i32
    return %arg0, %c0_i32 : i32, i32
  }
  func.func @transform_5(%arg0: i32) -> (i32, i32) {
    %c0_i32 = arith.constant 0 : i32
    %c0_i32_0 = arith.constant 0 : i32
    return %arg0, %c0_i32 : i32, i32
  }
}

module attributes {stable_mosaic.version = 14 : i64} {
  func.func @_gmm_body(%arg0: i32, %arg1: memref<96xi32, #tpu.memory_space<smem>>, %arg2: memref<96xi32, #tpu.memory_space<smem>>, %arg3: memref<48xi32, #tpu.memory_space<smem>>, %arg4: memref<256x768xf32, #tpu.memory_space<vmem>>, %arg5: memref<1x768x768xf32, #tpu.memory_space<vmem>>, %arg6: memref<1x768x768xf32, #tpu.memory_space<vmem>>, %arg7: memref<1x768x768xf32, #tpu.memory_space<vmem>>, %arg8: memref<1x768x768xf32, #tpu.memory_space<vmem>>, %arg9: memref<1x768x768xf32, #tpu.memory_space<vmem>>, %arg10: memref<1x768x768xf32, #tpu.memory_space<vmem>>, %arg11: memref<256x768xf32, #tpu.memory_space<vmem>>) attributes {dimension_semantics = [#tpu.dimension_semantics<arbitrary>], iteration_bounds = array<i64: 48>, scalar_prefetch = 3 : i64, scratch_operands = 0 : i64, tpu.core_type = #tpu.core_type<tc>, window_params = [{transform_indices = @transform_0, window_bounds = array<i64: 256, 768>}, {transform_indices = @transform_1, window_bounds = array<i64: 1, 768, 768>}, {transform_indices = @transform_2, window_bounds = array<i64: 1, 768, 768>}, {transform_indices = @transform_3, window_bounds = array<i64: 1, 768, 768>}, {transform_indices = @transform_4, window_bounds = array<i64: 1, 768, 768>}, {transform_indices = @transform_5, window_bounds = array<i64: 1, 768, 768>}, {transform_indices = @transform_6, window_bounds = array<i64: 1, 768, 768>}, {transform_indices = @transform_7, window_bounds = array<i64: 256, 768>}]} {
    %mul3A = arith.constant 2 : i32
    %mul3A_0 = arith.muli %mul3A, %arg0 : i32
    %add3A = arith.constant 1 : i32
    %add3A_1 = arith.addi %mul3A_0, %add3A : i32
    %get3A = arith.index_cast %add3A_1 : i32 to index
    %get3A_2 = memref.load %arg2[%get3A] : memref<96xi32, #tpu.memory_space<smem>>
    %eq3A = arith.constant 1 : i32
    %eq3A_3 = arith.cmpi eq, %get3A_2, %eq3A : i32
    %convert_element_type3A = arith.extui %eq3A_3 : i1 to i32
    %cond3A = arith.constant 0 : i32
    %cond3A_4 = arith.cmpi ne, %convert_element_type3A, %cond3A : i32
    scf.if %cond3A_4 {
      %get3A_22 = arith.constant 0 : index
      %get3A_23 = arith.constant 0 : index
      %get3A_24 = vector.load %arg4[%get3A_22, %get3A_23] : memref<256x768xf32, #tpu.memory_space<vmem>>, vector<128x768xf32>
      %get3A_25 = arith.constant 0 : index
      %get3A_26 = arith.constant 0 : index
      %get3A_27 = arith.constant 0 : index
      %get3A_28 = vector.load %arg5[%get3A_25, %get3A_26, %get3A_27] : memref<1x768x768xf32, #tpu.memory_space<vmem>>, vector<1x768x768xf32>
      %get3A_29 = vector.shape_cast %get3A_28 : vector<1x768x768xf32> to vector<768x768xf32>
      %get3A_30 = arith.constant 0 : index
      %get3A_31 = arith.constant 0 : index
      %get3A_32 = arith.constant 0 : index
      %get3A_33 = vector.load %arg6[%get3A_30, %get3A_31, %get3A_32] : memref<1x768x768xf32, #tpu.memory_space<vmem>>, vector<1x768x768xf32>
      %get3A_34 = vector.shape_cast %get3A_33 : vector<1x768x768xf32> to vector<768x768xf32>
      %get3A_35 = arith.constant 0 : index
      %get3A_36 = arith.constant 0 : index
      %get3A_37 = arith.constant 0 : index
      %get3A_38 = vector.load %arg7[%get3A_35, %get3A_36, %get3A_37] : memref<1x768x768xf32, #tpu.memory_space<vmem>>, vector<1x768x768xf32>
      %get3A_39 = vector.shape_cast %get3A_38 : vector<1x768x768xf32> to vector<768x768xf32>
      %dot_general3A = arith.constant dense<0.000000e+00> : vector<128x768xf32>
      %dot_general3A_40 = tpu.matmul %get3A_24, %get3A_29, %dot_general3A {dimension_numbers = #tpu.dot_dimension_numbers<[1], [1], [0], [0], [0, 0, 1, 0], [], []>, transpose_lhs_hint = false} : vector<128x768xf32>, vector<768x768xf32>, vector<128x768xf32> -> vector<128x768xf32>
      %dot_general3A_41 = arith.constant dense<0.000000e+00> : vector<128x768xf32>
      %dot_general3A_42 = tpu.matmul %get3A_24, %get3A_34, %dot_general3A_41 {dimension_numbers = #tpu.dot_dimension_numbers<[1], [1], [0], [0], [0, 0, 1, 0], [], []>, transpose_lhs_hint = false} : vector<128x768xf32>, vector<768x768xf32>, vector<128x768xf32> -> vector<128x768xf32>
      %logistic3A = arith.negf %dot_general3A_42 : vector<128x768xf32>
      %logistic3A_43 = math.exp %logistic3A : vector<128x768xf32>
      %logistic3A_44 = arith.constant 1.000000e+00 : f32
      %logistic3A_45 = vector.broadcast %logistic3A_44 : f32 to vector<128x768xf32>
      %logistic3A_46 = arith.addf %logistic3A_45, %logistic3A_43 : vector<128x768xf32>
      %logistic3A_47 = arith.divf %logistic3A_45, %logistic3A_46 : vector<128x768xf32>
      %mul3A_48 = arith.mulf %dot_general3A_42, %logistic3A_47 : vector<128x768xf32>
      %mul3A_49 = arith.mulf %dot_general3A_40, %mul3A_48 : vector<128x768xf32>
      %dot_general3A_50 = arith.constant dense<0.000000e+00> : vector<128x768xf32>
      %dot_general3A_51 = tpu.matmul %mul3A_49, %get3A_39, %dot_general3A_50 {dimension_numbers = #tpu.dot_dimension_numbers<[1], [1], [0], [0], [0, 0, 1, 0], [], []>, transpose_lhs_hint = false} : vector<128x768xf32>, vector<768x768xf32>, vector<128x768xf32> -> vector<128x768xf32>
      %get3A_52 = arith.constant 128 : index
      %get3A_53 = arith.constant 0 : index
      %get3A_54 = vector.load %arg4[%get3A_52, %get3A_53] : memref<256x768xf32, #tpu.memory_space<vmem>>, vector<128x768xf32>
      %get3A_55 = arith.constant 0 : index
      %get3A_56 = arith.constant 0 : index
      %get3A_57 = arith.constant 0 : index
      %get3A_58 = vector.load %arg8[%get3A_55, %get3A_56, %get3A_57] : memref<1x768x768xf32, #tpu.memory_space<vmem>>, vector<1x768x768xf32>
      %get3A_59 = vector.shape_cast %get3A_58 : vector<1x768x768xf32> to vector<768x768xf32>
      %get3A_60 = arith.constant 0 : index
      %get3A_61 = arith.constant 0 : index
      %get3A_62 = arith.constant 0 : index
      %get3A_63 = vector.load %arg9[%get3A_60, %get3A_61, %get3A_62] : memref<1x768x768xf32, #tpu.memory_space<vmem>>, vector<1x768x768xf32>
      %get3A_64 = vector.shape_cast %get3A_63 : vector<1x768x768xf32> to vector<768x768xf32>
      %get3A_65 = arith.constant 0 : index
      %get3A_66 = arith.constant 0 : index
      %get3A_67 = arith.constant 0 : index
      %get3A_68 = vector.load %arg10[%get3A_65, %get3A_66, %get3A_67] : memref<1x768x768xf32, #tpu.memory_space<vmem>>, vector<1x768x768xf32>
      %get3A_69 = vector.shape_cast %get3A_68 : vector<1x768x768xf32> to vector<768x768xf32>
      %dot_general3A_70 = arith.constant dense<0.000000e+00> : vector<128x768xf32>
      %dot_general3A_71 = tpu.matmul %get3A_54, %get3A_59, %dot_general3A_70 {dimension_numbers = #tpu.dot_dimension_numbers<[1], [1], [0], [0], [0, 0, 1, 0], [], []>, transpose_lhs_hint = false} : vector<128x768xf32>, vector<768x768xf32>, vector<128x768xf32> -> vector<128x768xf32>
      %dot_general3A_72 = arith.constant dense<0.000000e+00> : vector<128x768xf32>
      %dot_general3A_73 = tpu.matmul %get3A_54, %get3A_64, %dot_general3A_72 {dimension_numbers = #tpu.dot_dimension_numbers<[1], [1], [0], [0], [0, 0, 1, 0], [], []>, transpose_lhs_hint = false} : vector<128x768xf32>, vector<768x768xf32>, vector<128x768xf32> -> vector<128x768xf32>
      %logistic3A_74 = arith.negf %dot_general3A_73 : vector<128x768xf32>
      %logistic3A_75 = math.exp %logistic3A_74 : vector<128x768xf32>
      %logistic3A_76 = arith.constant 1.000000e+00 : f32
      %logistic3A_77 = vector.broadcast %logistic3A_76 : f32 to vector<128x768xf32>
      %logistic3A_78 = arith.addf %logistic3A_77, %logistic3A_75 : vector<128x768xf32>
      %logistic3A_79 = arith.divf %logistic3A_77, %logistic3A_78 : vector<128x768xf32>
      %mul3A_80 = arith.mulf %dot_general3A_73, %logistic3A_79 : vector<128x768xf32>
      %mul3A_81 = arith.mulf %dot_general3A_71, %mul3A_80 : vector<128x768xf32>
      %dot_general3A_82 = arith.constant dense<0.000000e+00> : vector<128x768xf32>
      %dot_general3A_83 = tpu.matmul %mul3A_81, %get3A_69, %dot_general3A_82 {dimension_numbers = #tpu.dot_dimension_numbers<[1], [1], [0], [0], [0, 0, 1, 0], [], []>, transpose_lhs_hint = false} : vector<128x768xf32>, vector<768x768xf32>, vector<128x768xf32> -> vector<128x768xf32>
      %swap3A = arith.constant 0 : index
      %swap3A_84 = arith.constant 0 : index
      %swap3A_85 = vector.load %arg11[%swap3A, %swap3A_84] : memref<256x768xf32, #tpu.memory_space<vmem>>, vector<128x768xf32>
      tpu.vector_store %arg11[%swap3A, %swap3A_84], %dot_general3A_51 {strides = array<i32>} : memref<256x768xf32, #tpu.memory_space<vmem>>, vector<128x768xf32>,
      %swap3A_86 = arith.constant 128 : index
      %swap3A_87 = arith.constant 0 : index
      %swap3A_88 = vector.load %arg11[%swap3A_86, %swap3A_87] : memref<256x768xf32, #tpu.memory_space<vmem>>, vector<128x768xf32>
      tpu.vector_store %arg11[%swap3A_86, %swap3A_87], %dot_general3A_83 {strides = array<i32>} : memref<256x768xf32, #tpu.memory_space<vmem>>, vector<128x768xf32>,
    } else {
    }
    %mul3A_5 = arith.constant 2 : i32
    %mul3A_6 = arith.muli %mul3A_5, %arg0 : i32
    %get3A_7 = arith.index_cast %mul3A_6 : i32 to index
    %get3A_8 = memref.load %arg2[%get3A_7] : memref<96xi32, #tpu.memory_space<smem>>
    %eq3A_9 = arith.constant 1 : i32
    %eq3A_10 = arith.cmpi eq, %get3A_8, %eq3A_9 : i32
    %mul3A_11 = arith.constant 2 : i32
    %mul3A_12 = arith.muli %mul3A_11, %arg0 : i32
    %add3A_13 = arith.constant 1 : i32
    %add3A_14 = arith.addi %mul3A_12, %add3A_13 : i32
    %get3A_15 = arith.index_cast %add3A_14 : i32 to index
    %get3A_16 = memref.load %arg2[%get3A_15] : memref<96xi32, #tpu.memory_space<smem>>
    %eq3A_17 = arith.constant 0 : i32
    %eq3A_18 = arith.cmpi eq, %get3A_16, %eq3A_17 : i32
    %and3A = arith.andi %eq3A_10, %eq3A_18 : i1
    %convert_element_type3A_19 = arith.extui %and3A : i1 to i32
    %cond3A_20 = arith.constant 0 : i32
    %cond3A_21 = arith.cmpi ne, %convert_element_type3A_19, %cond3A_20 : i32
    scf.if %cond3A_21 {
      %get3A_22 = arith.constant 0 : index
      %get3A_23 = arith.constant 0 : index
      %get3A_24 = vector.load %arg4[%get3A_22, %get3A_23] : memref<256x768xf32, #tpu.memory_space<vmem>>, vector<128x768xf32>
      %get3A_25 = arith.constant 0 : index
      %get3A_26 = arith.constant 0 : index
      %get3A_27 = arith.constant 0 : index
      %get3A_28 = vector.load %arg5[%get3A_25, %get3A_26, %get3A_27] : memref<1x768x768xf32, #tpu.memory_space<vmem>>, vector<1x768x768xf32>
      %get3A_29 = vector.shape_cast %get3A_28 : vector<1x768x768xf32> to vector<768x768xf32>
      %get3A_30 = arith.constant 0 : index
      %get3A_31 = arith.constant 0 : index
      %get3A_32 = arith.constant 0 : index
      %get3A_33 = vector.load %arg6[%get3A_30, %get3A_31, %get3A_32] : memref<1x768x768xf32, #tpu.memory_space<vmem>>, vector<1x768x768xf32>
      %get3A_34 = vector.shape_cast %get3A_33 : vector<1x768x768xf32> to vector<768x768xf32>
      %get3A_35 = arith.constant 0 : index
      %get3A_36 = arith.constant 0 : index
      %get3A_37 = arith.constant 0 : index
      %get3A_38 = vector.load %arg7[%get3A_35, %get3A_36, %get3A_37] : memref<1x768x768xf32, #tpu.memory_space<vmem>>, vector<1x768x768xf32>
      %get3A_39 = vector.shape_cast %get3A_38 : vector<1x768x768xf32> to vector<768x768xf32>
      %dot_general3A = arith.constant dense<0.000000e+00> : vector<128x768xf32>
      %dot_general3A_40 = tpu.matmul %get3A_24, %get3A_29, %dot_general3A {dimension_numbers = #tpu.dot_dimension_numbers<[1], [1], [0], [0], [0, 0, 1, 0], [], []>, transpose_lhs_hint = false} : vector<128x768xf32>, vector<768x768xf32>, vector<128x768xf32> -> vector<128x768xf32>
      %dot_general3A_41 = arith.constant dense<0.000000e+00> : vector<128x768xf32>
      %dot_general3A_42 = tpu.matmul %get3A_24, %get3A_34, %dot_general3A_41 {dimension_numbers = #tpu.dot_dimension_numbers<[1], [1], [0], [0], [0, 0, 1, 0], [], []>, transpose_lhs_hint = false} : vector<128x768xf32>, vector<768x768xf32>, vector<128x768xf32> -> vector<128x768xf32>
      %logistic3A = arith.negf %dot_general3A_42 : vector<128x768xf32>
      %logistic3A_43 = math.exp %logistic3A : vector<128x768xf32>
      %logistic3A_44 = arith.constant 1.000000e+00 : f32
      %logistic3A_45 = vector.broadcast %logistic3A_44 : f32 to vector<128x768xf32>
      %logistic3A_46 = arith.addf %logistic3A_45, %logistic3A_43 : vector<128x768xf32>
      %logistic3A_47 = arith.divf %logistic3A_45, %logistic3A_46 : vector<128x768xf32>
      %mul3A_48 = arith.mulf %dot_general3A_42, %logistic3A_47 : vector<128x768xf32>
      %mul3A_49 = arith.mulf %dot_general3A_40, %mul3A_48 : vector<128x768xf32>
      %dot_general3A_50 = arith.constant dense<0.000000e+00> : vector<128x768xf32>
      %dot_general3A_51 = tpu.matmul %mul3A_49, %get3A_39, %dot_general3A_50 {dimension_numbers = #tpu.dot_dimension_numbers<[1], [1], [0], [0], [0, 0, 1, 0], [], []>, transpose_lhs_hint = false} : vector<128x768xf32>, vector<768x768xf32>, vector<128x768xf32> -> vector<128x768xf32>
      %swap3A = arith.constant 0 : index
      %swap3A_52 = arith.constant 0 : index
      %swap3A_53 = vector.load %arg11[%swap3A, %swap3A_52] : memref<256x768xf32, #tpu.memory_space<vmem>>, vector<128x768xf32>
      tpu.vector_store %arg11[%swap3A, %swap3A_52], %dot_general3A_51 {strides = array<i32>} : memref<256x768xf32, #tpu.memory_space<vmem>>, vector<128x768xf32>,
    } else {
    }
    return
  }
  func.func @transform_0(%arg0: i32, %arg1: memref<96xi32, #tpu.memory_space<smem>>, %arg2: memref<96xi32, #tpu.memory_space<smem>>, %arg3: memref<48xi32, #tpu.memory_space<smem>>) -> (i32, i32) {
    %get3A = arith.index_cast %arg0 : i32 to index
    %get3A_0 = memref.load %arg3[%get3A] : memref<48xi32, #tpu.memory_space<smem>>
    %c0_i32 = arith.constant 0 : i32
    %c0_i32_1 = arith.constant 0 : i32
    return %get3A_0, %c0_i32 : i32, i32
  }
  func.func @transform_1(%arg0: i32, %arg1: memref<96xi32, #tpu.memory_space<smem>>, %arg2: memref<96xi32, #tpu.memory_space<smem>>, %arg3: memref<48xi32, #tpu.memory_space<smem>>) -> (i32, i32, i32) {
    %mul3A = arith.constant 2 : i32
    %mul3A_0 = arith.muli %mul3A, %arg0 : i32
    %add3A = arith.constant 0 : i32
    %add3A_1 = arith.addi %mul3A_0, %add3A : i32
    %get3A = arith.index_cast %add3A_1 : i32 to index
    %get3A_2 = memref.load %arg1[%get3A] : memref<96xi32, #tpu.memory_space<smem>>
    %c0_i32 = arith.constant 0 : i32
    %c0_i32_3 = arith.constant 0 : i32
    %c0_i32_4 = arith.constant 0 : i32
    return %get3A_2, %c0_i32, %c0_i32_3 : i32, i32, i32
  }
  func.func @transform_2(%arg0: i32, %arg1: memref<96xi32, #tpu.memory_space<smem>>, %arg2: memref<96xi32, #tpu.memory_space<smem>>, %arg3: memref<48xi32, #tpu.memory_space<smem>>) -> (i32, i32, i32) {
    %mul3A = arith.constant 2 : i32
    %mul3A_0 = arith.muli %mul3A, %arg0 : i32
    %add3A = arith.constant 0 : i32
    %add3A_1 = arith.addi %mul3A_0, %add3A : i32
    %get3A = arith.index_cast %add3A_1 : i32 to index
    %get3A_2 = memref.load %arg1[%get3A] : memref<96xi32, #tpu.memory_space<smem>>
    %c1_i32 = arith.constant 1 : i32
    %c0_i32 = arith.constant 0 : i32
    %c0_i32_3 = arith.constant 0 : i32
    return %get3A_2, %c1_i32, %c0_i32 : i32, i32, i32
  }
  func.func @transform_3(%arg0: i32, %arg1: memref<96xi32, #tpu.memory_space<smem>>, %arg2: memref<96xi32, #tpu.memory_space<smem>>, %arg3: memref<48xi32, #tpu.memory_space<smem>>) -> (i32, i32, i32) {
    %mul3A = arith.constant 2 : i32
    %mul3A_0 = arith.muli %mul3A, %arg0 : i32
    %add3A = arith.constant 0 : i32
    %add3A_1 = arith.addi %mul3A_0, %add3A : i32
    %get3A = arith.index_cast %add3A_1 : i32 to index
    %get3A_2 = memref.load %arg1[%get3A] : memref<96xi32, #tpu.memory_space<smem>>
    %c0_i32 = arith.constant 0 : i32
    %c0_i32_3 = arith.constant 0 : i32
    %c0_i32_4 = arith.constant 0 : i32
    return %get3A_2, %c0_i32, %c0_i32_3 : i32, i32, i32
  }
  func.func @transform_4(%arg0: i32, %arg1: memref<96xi32, #tpu.memory_space<smem>>, %arg2: memref<96xi32, #tpu.memory_space<smem>>, %arg3: memref<48xi32, #tpu.memory_space<smem>>) -> (i32, i32, i32) {
    %mul3A = arith.constant 2 : i32
    %mul3A_0 = arith.muli %mul3A, %arg0 : i32
    %add3A = arith.constant 1 : i32
    %add3A_1 = arith.addi %mul3A_0, %add3A : i32
    %get3A = arith.index_cast %add3A_1 : i32 to index
    %get3A_2 = memref.load %arg1[%get3A] : memref<96xi32, #tpu.memory_space<smem>>
    %c0_i32 = arith.constant 0 : i32
    %c0_i32_3 = arith.constant 0 : i32
    %c0_i32_4 = arith.constant 0 : i32
    return %get3A_2, %c0_i32, %c0_i32_3 : i32, i32, i32
  }
  func.func @transform_5(%arg0: i32, %arg1: memref<96xi32, #tpu.memory_space<smem>>, %arg2: memref<96xi32, #tpu.memory_space<smem>>, %arg3: memref<48xi32, #tpu.memory_space<smem>>) -> (i32, i32, i32) {
    %mul3A = arith.constant 2 : i32
    %mul3A_0 = arith.muli %mul3A, %arg0 : i32
    %add3A = arith.constant 1 : i32
    %add3A_1 = arith.addi %mul3A_0, %add3A : i32
    %get3A = arith.index_cast %add3A_1 : i32 to index
    %get3A_2 = memref.load %arg1[%get3A] : memref<96xi32, #tpu.memory_space<smem>>
    %c1_i32 = arith.constant 1 : i32
    %c0_i32 = arith.constant 0 : i32
    %c0_i32_3 = arith.constant 0 : i32
    return %get3A_2, %c1_i32, %c0_i32 : i32, i32, i32
  }
  func.func @transform_6(%arg0: i32, %arg1: memref<96xi32, #tpu.memory_space<smem>>, %arg2: memref<96xi32, #tpu.memory_space<smem>>, %arg3: memref<48xi32, #tpu.memory_space<smem>>) -> (i32, i32, i32) {
    %mul3A = arith.constant 2 : i32
    %mul3A_0 = arith.muli %mul3A, %arg0 : i32
    %add3A = arith.constant 1 : i32
    %add3A_1 = arith.addi %mul3A_0, %add3A : i32
    %get3A = arith.index_cast %add3A_1 : i32 to index
    %get3A_2 = memref.load %arg1[%get3A] : memref<96xi32, #tpu.memory_space<smem>>
    %c0_i32 = arith.constant 0 : i32
    %c0_i32_3 = arith.constant 0 : i32
    %c0_i32_4 = arith.constant 0 : i32
    return %get3A_2, %c0_i32, %c0_i32_3 : i32, i32, i32
  }
  func.func @transform_7(%arg0: i32, %arg1: memref<96xi32, #tpu.memory_space<smem>>, %arg2: memref<96xi32, #tpu.memory_space<smem>>, %arg3: memref<48xi32, #tpu.memory_space<smem>>) -> (i32, i32) {
    %get3A = arith.index_cast %arg0 : i32 to index
    %get3A_0 = memref.load %arg3[%get3A] : memref<48xi32, #tpu.memory_space<smem>>
    %c0_i32 = arith.constant 0 : i32
    %c0_i32_1 = arith.constant 0 : i32
    return %get3A_0, %c0_i32 : i32, i32
  }
}

module attributes {stable_mosaic.version = 14 : i64} {
  func.func @_add_body(%arg0: i32, %arg1: memref<256x768xf32, #tpu.memory_space<vmem>>, %arg2: memref<256x768xf32, #tpu.memory_space<vmem>>, %arg3: memref<256x1xf32, #tpu.memory_space<vmem>>, %arg4: memref<256x1xf32, #tpu.memory_space<vmem>>, %arg5: memref<256x768xf32, #tpu.memory_space<vmem>>) attributes {dimension_semantics = [#tpu.dimension_semantics<arbitrary>], iteration_bounds = array<i64: 8>, scalar_prefetch = 0 : i64, scratch_operands = 0 : i64, tpu.core_type = #tpu.core_type<tc>, window_params = [{transform_indices = @transform_0, window_bounds = array<i64: 256, 768>}, {transform_indices = @transform_1, window_bounds = array<i64: 256, 768>}, {transform_indices = @transform_2, window_bounds = array<i64: 256, 1>}, {transform_indices = @transform_3, window_bounds = array<i64: 256, 1>}, {transform_indices = @transform_4, window_bounds = array<i64: 256, 768>}]} {
    %get3A = arith.constant 0 : index
    %get3A_0 = arith.constant 0 : index
    %get3A_1 = vector.load %arg1[%get3A, %get3A_0] : memref<256x768xf32, #tpu.memory_space<vmem>>, vector<256x768xf32>
    %get3A_2 = arith.constant 0 : index
    %get3A_3 = arith.constant 0 : index
    %get3A_4 = vector.load %arg3[%get3A_2, %get3A_3] : memref<256x1xf32, #tpu.memory_space<vmem>>, vector<256x1xf32>
    %mul3A = vector.broadcast %get3A_4 : vector<256x1xf32> to vector<256x768xf32>
    %mul3A_5 = arith.mulf %get3A_1, %mul3A : vector<256x768xf32>
    %get3A_6 = arith.constant 0 : index
    %get3A_7 = arith.constant 0 : index
    %get3A_8 = vector.load %arg2[%get3A_6, %get3A_7] : memref<256x768xf32, #tpu.memory_space<vmem>>, vector<256x768xf32>
    %get3A_9 = arith.constant 0 : index
    %get3A_10 = arith.constant 0 : index
    %get3A_11 = vector.load %arg4[%get3A_9, %get3A_10] : memref<256x1xf32, #tpu.memory_space<vmem>>, vector<256x1xf32>
    %mul3A_12 = vector.broadcast %get3A_11 : vector<256x1xf32> to vector<256x768xf32>
    %mul3A_13 = arith.mulf %get3A_8, %mul3A_12 : vector<256x768xf32>
    %add3A = arith.addf %mul3A_5, %mul3A_13 : vector<256x768xf32>
    %swap3A = arith.constant 0 : index
    %swap3A_14 = arith.constant 0 : index
    %swap3A_15 = vector.load %arg5[%swap3A, %swap3A_14] : memref<256x768xf32, #tpu.memory_space<vmem>>, vector<256x768xf32>
    tpu.vector_store %arg5[%swap3A, %swap3A_14], %add3A {strides = array<i32>} : memref<256x768xf32, #tpu.memory_space<vmem>>, vector<256x768xf32>,
    return
  }
  func.func @transform_0(%arg0: i32) -> (i32, i32) {
    %c0_i32 = arith.constant 0 : i32
    %c0_i32_0 = arith.constant 0 : i32
    return %arg0, %c0_i32 : i32, i32
  }
  func.func @transform_1(%arg0: i32) -> (i32, i32) {
    %add3A = arith.constant 8 : i32
    %add3A_0 = arith.addi %arg0, %add3A : i32
    %c0_i32 = arith.constant 0 : i32
    %c0_i32_1 = arith.constant 0 : i32
    return %add3A_0, %c0_i32 : i32, i32
  }
  func.func @transform_2(%arg0: i32) -> (i32, i32) {
    %c0_i32 = arith.constant 0 : i32
    %c0_i32_0 = arith.constant 0 : i32
    return %arg0, %c0_i32 : i32, i32
  }
  func.func @transform_3(%arg0: i32) -> (i32, i32) {
    %c0_i32 = arith.constant 0 : i32
    %c0_i32_0 = arith.constant 0 : i32
    return %arg0, %c0_i32 : i32, i32
  }
  func.func @transform_4(%arg0: i32) -> (i32, i32) {
    %c0_i32 = arith.constant 0 : i32
    %c0_i32_0 = arith.constant 0 : i32
    return %arg0, %c0_i32 : i32, i32
  }
}

</mosaic_0001>

<sc_bundles>
// kernel: gather_offload_async_start
scs
__scs_entry_jumppad:
0x0: {  	(pc) =	sbr.rel $0x88, $3  }
0x1: {  	(tag) =	ssettag $0x0;
	lr =	simm.s32 $0x1  }
0x2: {  	[smem:$0x3F9D] =	sst lr;
	_ =	strace $0xD0000000  }
0x3: {  	_ = 	snop  }
0x4: {  	_ = 	snop  }
0x5: {  	_ = 	snop  }
0x6: {  	_ = 	snop  }
0x7: {  	_ = 	snop  }
__scs_overlays_trampoline_lowered:
0x8: {  	[smem:$0x3FAC] =	sst s0  }
0x9: {  	[smem:$0x3FAD] =	sst s1  }
0xa: {  	[smem:$0x3FAE] =	sst s2  }
0xb: {  	[smem:$0x3FAF] =	sst s3  }
0xc: {  	[smem:$0x3FB0] =	sst s4  }
0xd: {  	[smem:$0x3FB1] =	sst s5  }
0xe: {  	[smem:$0x3FB2] =	sst s6  }
0xf: {  	[smem:$0x3FB3] =	sst s7  }
0x10: {  	[smem:$0x3FB4] =	sst s8  }
0x11: {  	[smem:$0x3FB5] =	sst s9;
	s0 =	simm.s32 @!p0 $0x0  }
0x12: {  	s1 =	sld [smem:$0x3F9B];
	s0 =	simm.s32 @p0 $0x1  }
0x13: {  	[smem:$0x3FB6] =	sst s0;
	s0 =	simm.s32 @!p1 $0x0  }
0x14: {  	s2 =	sld [smem:$0x3F9A];
	s0 =	simm.s32 @p1 $0x1  }
0x15: {  	[smem:$0x3FB7] =	sst s0;
	s0 =	simm.s32 @!p2 $0x0  }
0x16: {  	s3 =	sld [smem:$0x3FDB];
	s0 =	simm.s32 @p2 $0x1  }
0x17: {  	s4 =	simm.s32 $0x1BF5;
	[smem:$0x3FB9] =	sst s0  }
0x18: {  	s0 =	sld [smem:$0x3F9C];
	_ =	swait.ge [sflag:s4], $0x0  }
0x19: {  	s7 =	sld [smem:$0x3F9D]  }
0x1a: {  	s8 =	sadd.s32 $0xFFFFE003, lr  }
0x1b: {  	s9 =	sadd.s32 $0xFFFFFEF7, lr;
	s5 =	simm.s32 $0xFFFFFFFF;
	p2 =	slt.u32 s8, $0xFFFFF086  }
0x1c: {  	p1 =	slt.u32 s9, $0xF7A;
	s5 =	simm.s32 @!p2 $0x0  }
0x1d: {  	s5 =	simm.s32 @p1 $0x1;
	p0 =	seq.s32 s7, s2  }
0x1e: {  	s7 =	smul.u32 @!p0 $0xF7A, s2;
	p2 =	seq.s32 @!p0 s5, $0x0  }
0x1f: {  	s9 =	smul.u32 $0xF7A, s1;
	s8 =	simm.s32 @!p0 $0x1BF5;
	p2 =	por !p2, p0  }
0x20: {  	[sflag:s8] =	ssyncset.s32 @!p0 $0xFFFFF086;
	s6 =	sadd.s32 @!p0 s3, s7;
	s7 =	simm.s32 @!p0 $0x108  }
0x21: {  	s3 =	sadd.s32 s3, s9;
	s6 =	sadd.s32 @!p0 $0x88, s6;
	s7 =	simm.s32 @p2 $0x1082  }
0x22: {  	[simem:s7], [sflag:s8] =	dma.local @!p0 [hbm:s6], $0xF7A  }
0x23: {  	s9 =	sor.u32 $0xD0000000, s2;
	s6 =	simm.s32 $0x108;
	_ =	swait.ge @!p0 [sflag:s8], $0x0  }
0x24: {  	s3 =	sadd.s32 $0x88, s3;
	s6 =	simm.s32 @!p1 $0x1082;
	[sflag:s4] =	ssyncset.s32 $0xFFFFF086  }
0x25: {  	[simem:s6], [sflag:s4] =	dma.local [hbm:s3], $0xF7A  }
0x26: {  	[smem:$0x3F9D] =	sst s1;
	(tag) =	ssettag s2;
	_ =	strace s9  }
0x27: {  	s1 =	sld [smem:$0x3FAD]  }
0x28: {  	s2 =	sld [smem:$0x3FAE]  }
0x29: {  	s4 =	sld [smem:$0x3FB0]  }
0x2a: {  	p0 =	seq.s32 s5, $0x0;
	s5 =	sld [smem:$0x3FB1]  }
0x2b: {  	s6 =	sld [smem:$0x3FB2]  }
0x2c: {  	s7 =	sld [smem:$0x3FB3]  }
0x2d: {  	s3 =	simm.s32 $0x108;
	s8 =	sld [smem:$0x3FB4]  }
0x2e: {  	s3 =	simm.s32 @!p0 $0x1082;
	s9 =	sld [smem:$0x3FB5]  }
0x2f: {  	lr =	sadd.s32 s0, s3;
	s0 =	sld [smem:$0x3FAC]  }
0x30: {  	s3 =	sld [smem:$0x3FAF]  }
0x31: {  	[smem:$0x3FB8] =	sst s10  }
0x32: {  	s10 =	sld [smem:$0x3FB6];
	_ =	sdelay $0x3  }
0x33: {  	p0 =	seq.s32 s10, $0x1;
	s10 =	sld [smem:$0x3FB8];
	_ =	sdelay $0x3  }
0x34: {  	[smem:$0x3FB8] =	sst s10  }
0x35: {  	s10 =	sld [smem:$0x3FB7];
	_ =	sdelay $0x3  }
0x36: {  	p1 =	seq.s32 s10, $0x1;
	s10 =	sld [smem:$0x3FB8];
	_ =	sdelay $0x3  }
0x37: {  	[smem:$0x3FB8] =	sst s10  }
0x38: {  	s10 =	sld [smem:$0x3FB9]  }
0x39: {  	_ = 	snop;
	(pc) =	sbr.ind lr, $3  }
0x3a: {  	_ = 	snop  }
0x3b: {  	_ = 	snop  }
0x3c: {  	p2 =	seq.s32 s10, $0x1;
	s10 =	sld [smem:$0x3FB8]  }
0x3d: {  	_ =	shalt  }
0x3e: {  	_ =	shalt  }
0x3f: {  	_ =	shalt  }
0x40: {  	_ =	shalt  }
0x41: {  	_ =	shalt  }
0x42: {  	_ =	shalt  }
0x43: {  	_ =	shalt  }
0x44: {  	_ =	shalt  }
0x45: {  	_ =	shalt  }
0x46: {  	_ =	shalt  }
0x47: {  	_ =	shalt  }
0x48: {  	_ =	shalt  }
0x49: {  	_ =	shalt  }
0x4a: {  	_ =	shalt  }
0x4b: {  	_ =	shalt  }
0x4c: {  	_ =	shalt  }
0x4d: {  	_ =	shalt  }
0x4e: {  	_ =	shalt  }
0x4f: {  	_ =	shalt  }
0x50: {  	_ =	shalt  }
0x51: {  	_ =	shalt  }
0x52: {  	_ =	shalt  }
0x53: {  	_ =	shalt  }
0x54: {  	_ =	shalt  }
0x55: {  	_ =	shalt  }
0x56: {  	_ =	shalt  }
0x57: {  	_ =	shalt  }
0x58: {  	_ =	shalt  }
0x59: {  	_ =	shalt  }
0x5a: {  	_ =	shalt  }
0x5b: {  	_ =	shalt  }
0x5c: {  	_ =	shalt  }
0x5d: {  	_ =	shalt  }
0x5e: {  	_ =	shalt  }
0x5f: {  	_ =	shalt  }
0x60: {  	_ =	shalt  }
0x61: {  	_ =	shalt  }
0x62: {  	_ =	shalt  }
0x63: {  	_ =	shalt  }
0x64: {  	_ =	shalt  }
0x65: {  	_ =	shalt  }
0x66: {  	_ =	shalt  }
0x67: {  	_ =	shalt  }
0x68: {  	_ =	shalt  }
0x69: {  	_ =	shalt  }
0x6a: {  	_ =	shalt  }
0x6b: {  	_ =	shalt  }
0x6c: {  	_ =	shalt  }
0x6d: {  	_ =	shalt  }
0x6e: {  	_ =	shalt  }
0x6f: {  	_ =	shalt  }
0x70: {  	_ =	shalt  }
0x71: {  	_ =	shalt  }
0x72: {  	_ =	shalt  }
0x73: {  	_ =	shalt  }
0x74: {  	_ =	shalt  }
0x75: {  	_ =	shalt  }
0x76: {  	_ =	shalt  }
0x77: {  	_ =	shalt  }
0x78: {  	_ =	shalt  }
0x79: {  	_ =	shalt  }
0x7a: {  	_ =	shalt  }
0x7b: {  	_ =	shalt  }
0x7c: {  	_ =	shalt  }
0x7d: {  	_ =	shalt  }
0x7e: {  	_ =	shalt  }
0x7f: {  	_ =	shalt  }
0x80: {  	_ =	shalt  }
0x81: {  	_ =	shalt  }
0x82: {  	_ =	shalt  }
0x83: {  	_ =	shalt  }
0x84: {  	_ =	shalt  }
0x85: {  	_ =	shalt  }
0x86: {  	_ =	shalt  }
0x87: {  	_ =	shalt  }
.Lfunc_end0:
.L_simem_size_0:
called_computation_lowered:
.L_overlay_start_0:
0x88: {  	s2 =	sld [smem:$0x3FD9]  }
0x89: {  	s3 =	sld [smem:$0x3FFE];
	_ =	sdelay $0x1  }
0x8a: {  	s1 =	srdreg.scid  }
0x8b: {  	s0 =	sand.u32 $0x1, s1  }
0x8c: {  	s17 =	sshll.u32 s0, $0xA;
	s2 =	sadd.s32 s3, s2  }
0x8d: {  	s2 =	sadd.s32 s2, s17  }
0x8e: {  	[smem:$0x3FC4] =	sst s2  }
0x8f: {  	_ = 	snop  }
0x90: {  	s2 =	sld [smem:$0x3FD0];
	(tm) =	ssettm $0x1  }
0x91: {  	s18 =	sld [smem:$0x3FFB];
	_ =	sdelay $0x3  }
0x92: {  	_ =	strace s18  }
0x93: {  	s3 =	sld [smem:$0x3FFC];
	_ =	sdelay $0x3  }
0x94: {  	_ =	strace s3  }
0x95: {  	s3 =	sld [smem:$0x3FFD];
	_ =	sdelay $0x3  }
0x96: {  	_ =	strace s3  }
0x97: {  	_ =	strace $0x8FFFFFFF  }
0x98: {  	s19 =	sld [smem:$0x3FDB];
	_ =	sdelay $0x1  }
0x99: {  	s4 =	simm.s32 $_scs_section_size  }
0x9a: {  	s5 =	simm.s32 $_size__tile_overlayer_lowered;
	s6 =	simm.s32 $_tile_overlayer_lowered  }
0x9b: {  	s22 =	simm.s32 $0x1BFF;
	s21 =	sshll.u32 s6, $0x1;
	s3 =	sadd.s32 s4, s19  }
0x9c: {  	s7 =	simm.s32 $0x0;
	s20 =	sshll.u32 s5, $0x1;
	s5 =	sadd.s32 s21, s3  }
0x9d: {  	[timem:s7], [sflag:s22] =	dma.local [hbm:s5], s20  }
0x9e: {  	_ =	swait.ge [sflag:s22], s20  }
0x9f: {  	s4 =	ssub.s32 $0x0, s20;
	[sflag:s22] =	ssyncset.done $0x0  }
0xa0: {  	[sflag:s22] =	ssyncadd.s32 s4;
	_ =	sdelay $0x1  }
0xa1: {  	s23 =	simm.s32 $0x1B8B  }
0xa2: {  	_ =	swait.ge [sflag:s23], $0x1  }
0xa3: {  	[sflag:s23] =	ssyncset.done $0x0  }
0xa4: {  	s25 =	simm.s32 $0x1B8E;
	s24 =	sld [smem:$0x3FFE];
	[sflag:s23] =	ssyncadd.s32 $0xFFFFFFFF  }
0xa5: {  	s26 =	simm.s32 $execute0_lowered;
	[smem:$0x3FD2] =	sst s25  }
0xa6: {  	s5 =	sshll.u32 s26, $0x1;
	_ =	strace $0x80000046;
	[dreg:$0x1] =	wrdreg $0xFFFFFFFF  }
0xa7: {  	s28 =	simm.s32 $_size_execute0_lowered;
	s3 =	sadd.s32 s3, s5;
	[dreg:$0x0] =	wrdreg $0x0  }
0xa8: {  	s5 =	sshll.u32 s28, $0x1;
	[dreg:$0x2] =	wrdreg s3  }
0xa9: {  	[dreg:$0x3] =	wrdreg s5  }
0xaa: {  	[dreg:$0x4] =	wrdreg $0xC0  }
0xab: {  	_ =	task [dreg:s7], $0x5FFFF  }
0xac: {  	[dreg:$0x1] =	wrdreg $0xFFFFFFFF  }
0xad: {  	[dreg:$0x0] =	wrdreg $0x60  }
0xae: {  	[dreg:$0x2] =	wrdreg s2  }
0xaf: {  	[dreg:$0x3] =	wrdreg s24  }
0xb0: {  	[dreg:$0x4] =	wrdreg $0x9  }
0xb1: {  	_ =	task.clear_ibuf [dreg:s7], $0x5FFFF;
	_ =	strace $0x90000046  }
0xb2: {  	s29 =	simm.s32 $0x9;
	_ =	strace $0x80000048  }
0xb3: {  	_ =	swait.ge [sflag:s29], $0x1  }
0xb4: {  	[sflag:s29] =	ssyncadd.s32 $0xFFFFFFFF  }
0xb5: {  	_ =	strace $0x90000048  }
0xb6: {  	_ =	sfence  }
0xb7: {  	s30 =	sld [smem:$0x0];
	_ =	sdelay $0x2  }
0xb8: {  	s31 =	sshll.u32 s1, $0xD;
	s1 =	sshrl.u32 s1, $0x2  }
0xb9: {  	s3 =	sand.u32 $0x4000, s31;
	s1 =	sadd.s32 s1, s30  }
0xba: {  	s0 =	sor.u32 s3, s0;
	s1 =	sshll.u32 s1, $0x11  }
0xbb: {  	s0 =	sor.u32 s1, s0  }
0xbc: {  	s0 =	sadd.s32 $0x8F2B, s0  }
0xbd: {  	[sflag:s0] =	ssyncadd.remote.s32 $0x1  }
0xbe: {  	_ =	sfence.sel $0xFFFF  }
0xbf: {  	[dreg:$0x0] =	wrdreg $0xFFFFFFFF;
	(pc) =	sbr.abs _section_cstart, $3  }
0xc0: {  	[dreg:$0x1] =	wrdreg $0xFFFFFFFF  }
0xc1: {  	_ =	task.clear_ibuf [dreg:s7], $0x2FFFF;
	_ =	strace $0x9FFFFFFF  }
0xc2: {  	(tm) =	ssettm $0x7FFFFFFF  }
0xc3: {  	_ =	shalt  }
tec
execute0_lowered:
.L_overlay_start_1:
0x0: {  	(tag) =	ssettag $0x1  }
0x1: {  	s1 =	srdreg.scid;
	s2 =	rddreg [dreg:$0x0]  }
0x2: {  	s0 =	stileid.u32;
	s5 =	rddreg [dreg:$0x1];
	s6 =	simm.s32 $0x1  }
0x3: {  	s9 =	simm.s32 $0x1;
	s10 =	simm.s32 $0x3;
	s1 =	sshll.u32 s1, $0x6  }
0x4: {  	s13 =	simm.s32 $0x0;
	s3 =	sshll.u32 s0, $0x7;
	s4 =	sand.u32 $0x40, s1  }
0x5: {  	s12 =	simm.s32 $0x0;
	s1 =	rddreg [dreg:$0x2];
	s3 =	sor.u32 s3, s4  }
0x6: {  	_ =	strace $0x80000047;
	s4 =	sadd.s32 $0x18000, s5;
	s8 =	ssub.s32 $0x1000, s3  }
.Ltmp0:
0x7: {  	s5 =	sadd.s32 $0x10200, s5;
	s7 =	sand.u32 $0x7C0, s8;
	(pc) =	sbr.rel .LBB2_1-.Ltmp0, $4  }
0x8: {  	[sflag:s6] =	ssyncpa.u1 $0x0;
	s11 =	smov.u32 s3;
	p0 =	sne.s32 s7, $0x0  }
0x9: {  	s8 =	sshrl.u32 s8, $0xB;
	s7 =	simm.s32 $0x2;
	s9 =	simm.s32 @!p0 $0x0  }
0xa: {  	[sflag:s7] =	ssyncpa.u1 $0x0;
	p0 =	por $0x0, $0x0;
	s8 =	sadd.s32 s9, s8  }
0xb: {  	vm0 =	vmmov $0xffff;
	[sflag:s10] =	ssyncpa.u1 $0x0;
	s10 =	simm.s32 $0x0;
	s9 =	sadd.s32 $0x1, s8  }
.LBB2_4:
0xc: {  	vm1 =	veq.s32 v0, $0x80000000;
	v63 =	vand.u32 $0xFFF, v0;
	v2 =	vand.u32 $0x3F, v2  }
0xd: {  	v0 =	vsel vm1, $0xFFFFFFFF, v63;
	v2 =	vsel vm1, $0xFFFFFFFF, v2  }
0xe: {  	v3 =	vshll.u32 v2, $0xC;
	v4 =	vshll.u32 v0, $0x3  }
0xf: {  	v2 =	vshll.u32 v2, $0x7;
	v3 =	vand.u32 $0xFFFF8000, v3;
	v4 =	vand.u32 $0xFFFFFC00, v4  }
0x10: {  	v2 =	vand.u32 $0x380, v2;
	v3 =	vadd.s32 v4, v3  }
0x11: {  	v0 =	vand.u32 $0x7F, v0;
	v2 =	vor.u32 v2, v3  }
0x12: {  	v0 =	vor.u32 v0, v2;
	_ =	sdelay $0x1  }
0x13: {  	(ifvalue) =	ssetifvalue $0x7FFFFFFF;
	s14 =	sadd.s32 $0x10, s14  }
0x14: {  	[tilespmem:s14], [sflag:$0x1] =	stream.indirect_vreg.gather [hbm4b:s2+s10], $0x1, v1, vm0, $0x4038;
	[tilespmem:$0x100] =	vst v63  }
0x15: {  	(ifvalue) =	ssetifvalue $0x7FFFFFFF;
	s14 =	sadd.s32 $0x10, s14  }
0x16: {  	[tilespmem:s14], [sflag:$0x1] =	stream.indirect_vreg.gather [hbm4b:s2+s10], $0x1, v0, vm0, $0x4038;
	[tilespmem:$0x100] =	vst v63  }
0x17: {  	_ =	swait.ge [sflag:s6], $0x40  }
0x18: {  	s30 =	sshrl.u32 s13, $0x3;
	[sflag:s6] =	ssyncset.done $0x0  }
0x19: {  	s31 =	sand.u32 $0x7, s13;
	s14 =	sadd.s32 s5, s30;
	[sflag:s6] =	ssyncadd.s32 $0xFFFFFFC0  }
0x1a: {  	[hbm4b:s14+s31] =	stream.linear.scatter [tilespmem:s15], [sflag:$0x3], $0x40, $0x38;
	[tilespmem:$0x100] =	vst v63  }
.LBB2_5:
0x1b: {  	s15 =	sadd.s32 $0x800, s11  }
0x1c: {  	p2 =	sgt.s32 s15, $0xFFF  }
0x1d: {  	s15 =	smov.u32 @p2 s3;
	p2 =	sne.s32 s12, s9  }
.Ltmp1:
0x1e: {  	p1 =	slt.u32 s12, $0x2;
	(pc) =	sbr.rel @!p2 .LBB2_6-.Ltmp1, $4  }
0x1f: {  	s14 =	simm.s32 @!p1 $0x3  }
0x20: {  	s16 =	sadd.s32 $0x1, s12;
	_ =	swait.ge @!p1 [sflag:s14], $0x40  }
0x21: {  	s13 =	smov.u32 s11;
	p0 =	por !p0, !p0;
	[sflag:s14] =	ssyncset.done @!p1 $0x0  }
0x22: {  	s12 =	smov.u32 s16;
	s11 =	smov.u32 s15;
	[sflag:s14] =	ssyncadd.s32 @!p1 $0xFFFFFFC0  }
.LBB2_1:
0x23: {  	p1 =	sge.u32 s12, s8  }
0x24: {  	s14 =	sxor.u32 @!p1 $0xFFFFFFFF, s12  }
0x25: {  	s31 =	sadd.s32 $0xFFFFFFFF, s12;
	s15 =	sshrl.u32 @!p1 s11, $0x3;
	s14 =	sshll.u32 @!p1 s14, $0x6  }
0x26: {  	s16 =	sand.u32 @!p1 $0x7, s11;
	s15 =	sadd.s32 @!p1 s4, s15;
	s14 =	sand.u32 @!p1 $0x40, s14  }
0x27: {  	[tilespmem:s14], [sflag:$0x2] =	stream.linear.gather @!p1 [hbm4b:s15+s16], $0x40, $0x38;
	[tilespmem:$0x100] =	vst v63  }
0x28: {  	p1 =	sge.u32 s31, s8  }
.Ltmp2:
0x29: {  	_ = 	snop;
	(pc) =	sbr.rel @p1 .LBB2_5-.Ltmp2, $1  }
0x2a: {  	_ =	sdelay $0x3  }
0x2b: {  	s14 =	simm.s32 $0x1  }
0x2c: {  	_ =	swait.ge [sflag:s7], $0x40;
	s14 =	simm.s32 @!p0 $0x0  }
0x2d: {  	[sflag:s7] =	ssyncset.done $0x0;
	s14 =	sshll.u32 s14, $0x6  }
0x2e: {  	[sflag:s7] =	ssyncadd.s32 $0xFFFFFFC0;
	(ifvalue) =	ssetifvalue $0x7FFFFFFF;
	v0 =	vld.msk [tilespmem:s14+$0x0 ss:$0x1], $0xffff;
	_ =	sdelay $0x4  }
0x2f: {  	s15 =	sadd.s32 $0x10, s14;
	v1 =	vshrl.u32 v0, $0xC  }
0x30: {  	v2 =	vld.msk [tilespmem:s15+$0x0 ss:$0x1], $0xffff;
	vm1 =	veq.s32 v0, $0x80000000;
	v0 =	vand.u32 $0xFFF, v0;
	v1 =	vand.u32 $0x3F, v1  }
0x31: {  	v0 =	vsel vm1, $0xFFFFFFFF, v0;
	v1 =	vsel vm1, $0xFFFFFFFF, v1  }
0x32: {  	v4 =	vshll.u32 v0, $0x3;
	v3 =	vshll.u32 v1, $0xC  }
0x33: {  	v4 =	vand.u32 $0xFFFFFC00, v4;
	v1 =	vshll.u32 v1, $0x7;
	v3 =	vand.u32 $0xFFFF8000, v3  }
0x34: {  	v0 =	vand.u32 $0x7F, v0;
	v1 =	vand.u32 $0x380, v1;
	v3 =	vadd.s32 v4, v3  }
0x35: {  	vm1 =	veq.s32 v2, $0x80000000;
	v1 =	vor.u32 v1, v3;
	v3 =	vshrl.u32 v2, $0xC  }
0x36: {  	s17 =	sadd.s32 $0x10, s15;
	v2 =	vand.u32 $0xFFF, v2;
	v1 =	vor.u32 v0, v1;
	v3 =	vand.u32 $0x3F, v3  }
0x37: {  	v0 =	vld.msk [tilespmem:s17+$0x0 ss:$0x1], $0xffff;
	v2 =	vsel vm1, $0xFFFFFFFF, v2;
	v3 =	vsel vm1, $0xFFFFFFFF, v3  }
0x38: {  	v5 =	vshll.u32 v2, $0x3;
	v63 =	vshll.u32 v3, $0xC  }
0x39: {  	s31 =	sshll.u32 s12, $0x6;
	v5 =	vand.u32 $0xFFFFFC00, v5;
	v3 =	vshll.u32 v3, $0x7;
	v4 =	vand.u32 $0xFFFF8000, v63  }
0x3a: {  	s14 =	sor.u32 $0x80, s14;
	s15 =	sand.u32 $0x40, s31;
	(ifvalue) =	ssetifvalue $0x7FFFFFFF;
	v3 =	vand.u32 $0x380, v3;
	v4 =	vadd.s32 v5, v4  }
0x3b: {  	[tilespmem:s14], [sflag:$0x1] =	stream.indirect_vreg.gather [hbm4b:s2+s10], $0x1, v1, vm0, $0x4038;
	v1 =	vand.u32 $0x7F, v2;
	v3 =	vor.u32 v3, v4;
	[tilespmem:$0x100] =	vst v63  }
0x3c: {  	s16 =	simm.s32 $0x20;
	s15 =	sor.u32 $0x80, s15;
	s17 =	sadd.s32 $0x10, s17;
	v2 =	vshrl.u32 v0, $0xC;
	v1 =	vor.u32 v1, v3  }
.LBB2_3:
0x3d: {  	s16 =	sadd.s32 $0x10, s16;
	vm1 =	veq.s32 v0, $0x80000000;
	v3 =	vand.u32 $0xFFF, v0;
	v0 =	vld.msk [tilespmem:s17+$0x0 ss:$0x1], $0xffff;
	v2 =	vand.u32 $0x3F, v2  }
0x3e: {  	p1 =	slt.u32 s16, $0x30;
	v3 =	vsel vm1, $0xFFFFFFFF, v3;
	v2 =	vsel vm1, $0xFFFFFFFF, v2  }
.Ltmp3:
0x3f: {  	v4 =	vshll.u32 v2, $0xC;
	v5 =	vshll.u32 v3, $0x3;
	(pc) =	sbr.rel @p1 .LBB2_3-.Ltmp3, $4  }
0x40: {  	s14 =	sadd.s32 $0x10, s14;
	v2 =	vshll.u32 v2, $0x7;
	v4 =	vand.u32 $0xFFFF8000, v4;
	v5 =	vand.u32 $0xFFFFFC00, v5;
	(ifvalue) =	ssetifvalue $0x7FFFFFFF  }
0x41: {  	v2 =	vand.u32 $0x380, v2;
	v4 =	vadd.s32 v5, v4;
	[tilespmem:s14], [sflag:$0x1] =	stream.indirect_vreg.gather [hbm4b:s2+s10], $0x1, v1, vm0, $0x4038;
	[tilespmem:$0x100] =	vst v63  }
0x42: {  	v1 =	vand.u32 $0x7F, v3;
	v3 =	vor.u32 v2, v4  }
0x43: {  	s17 =	sadd.s32 $0x10, s17;
	v2 =	vshrl.u32 v0, $0xC;
	v1 =	vor.u32 v1, v3  }
.Ltmp4:
0x44: {  	_ = 	snop;
	(pc) =	sbr.rel .LBB2_4-.Ltmp4, $1  }
0x45: {  	_ =	sdelay $0x3  }
.LBB2_6:
0x46: {  	_ =	sfence.sel $0x180000  }
0x47: {  	s2 =	simm.s32 $0x2;
	[bflag:$0x0] =	sbarrier.arrive $0xFFFF  }
0x48: {  	s30 =	simm.s32 $0x3;
	[sflag:s2] =	ssyncpa.u1 $0x1  }
0x49: {  	s31 =	simm.s32 $0x1;
	[sflag:s30] =	ssyncpa.u1 $0x1  }
0x4a: {  	[sflag:s31] =	ssyncpa.u1 $0x1  }
0x4b: {  	p0 =	sne.s32 s0, $0x0;
	_ =	strace $0x90000047  }
0x4c: {  	s0 =	sadd.s32 @!p0 $0x100000, s1;
	[bflag:$0x2] =	sbarrier.arrive $0xFFFF  }
0x4d: {  	[sflag:s0] =	ssyncadd.tile.s32 @!p0 $0x1;
	_ =	shalt  }
.Lfunc_end2:
_tile_overlayer_lowered:
.L_overlay_start_2:
0x4e: {  	(tag) =	ssettag $0x2  }
0x4f: {  	s0 =	rddreg [dreg:$0x0];
	s2 =	stileid.u32  }
0x50: {  	s1 =	rddreg [dreg:$0x1];
	p0 =	sne.s32 s2, $0x0  }
0x51: {  	s3 =	rddreg [dreg:$0x2];
	[bflag:$0x3] =	sbarrier.arrive $0xFFFF;
	s2 =	simm.s32 @!p0 $0x1C01  }
0x52: {  	[timem:s3], [sflag:s2] =	dma.local @!p0 [hbm:s0], s1  }
0x53: {  	s0 =	simm.s32 @!p0 $0x1  }
0x54: {  	_ =	swait.ge @!p0 [sflag:s0], s1  }
0x55: {  	s1 =	ssub.s32 @!p0 $0x0, s1;
	[sflag:s0] =	ssyncset.done @!p0 $0x0  }
0x56: {  	[sflag:s0] =	ssyncadd.s32 @!p0 s1  }
0x57: {  	[bflag:$0x3] =	sbarrier.arrive $0xFFFF  }
0x58: {  	_ =	shalt  }

// kernel: kernel.10.cloned.1.call-start
scs
__scs_entry_jumppad:
0x0: {  	(pc) =	sbr.rel $0x88, $3  }
0x1: {  	(tag) =	ssettag $0x0;
	lr =	simm.s32 $0x1  }
0x2: {  	[smem:$0x3F9D] =	sst lr;
	_ =	strace $0xD0000000  }
0x3: {  	_ = 	snop  }
0x4: {  	_ = 	snop  }
0x5: {  	_ = 	snop  }
0x6: {  	_ = 	snop  }
0x7: {  	_ = 	snop  }
__scs_overlays_trampoline_lowered:
0x8: {  	[smem:$0x3FAC] =	sst s0  }
0x9: {  	[smem:$0x3FAD] =	sst s1  }
0xa: {  	[smem:$0x3FAE] =	sst s2  }
0xb: {  	[smem:$0x3FAF] =	sst s3  }
0xc: {  	[smem:$0x3FB0] =	sst s4  }
0xd: {  	[smem:$0x3FB1] =	sst s5  }
0xe: {  	[smem:$0x3FB2] =	sst s6  }
0xf: {  	[smem:$0x3FB3] =	sst s7  }
0x10: {  	[smem:$0x3FB4] =	sst s8  }
0x11: {  	[smem:$0x3FB5] =	sst s9;
	s0 =	simm.s32 @!p0 $0x0  }
0x12: {  	s1 =	sld [smem:$0x3F9B];
	s0 =	simm.s32 @p0 $0x1  }
0x13: {  	[smem:$0x3FB6] =	sst s0;
	s0 =	simm.s32 @!p1 $0x0  }
0x14: {  	s2 =	sld [smem:$0x3F9A];
	s0 =	simm.s32 @p1 $0x1  }
0x15: {  	[smem:$0x3FB7] =	sst s0;
	s0 =	simm.s32 @!p2 $0x0  }
0x16: {  	s3 =	sld [smem:$0x3FDB];
	s0 =	simm.s32 @p2 $0x1  }
0x17: {  	s4 =	simm.s32 $0x1BF5;
	[smem:$0x3FB9] =	sst s0  }
0x18: {  	s0 =	sld [smem:$0x3F9C];
	_ =	swait.ge [sflag:s4], $0x0  }
0x19: {  	s7 =	sld [smem:$0x3F9D]  }
0x1a: {  	s8 =	sadd.s32 $0xFFFFE003, lr  }
0x1b: {  	s9 =	sadd.s32 $0xFFFFFEF7, lr;
	s5 =	simm.s32 $0xFFFFFFFF;
	p2 =	slt.u32 s8, $0xFFFFF086  }
0x1c: {  	p1 =	slt.u32 s9, $0xF7A;
	s5 =	simm.s32 @!p2 $0x0  }
0x1d: {  	s5 =	simm.s32 @p1 $0x1;
	p0 =	seq.s32 s7, s2  }
0x1e: {  	s7 =	smul.u32 @!p0 $0xF7A, s2;
	p2 =	seq.s32 @!p0 s5, $0x0  }
0x1f: {  	s9 =	smul.u32 $0xF7A, s1;
	s8 =	simm.s32 @!p0 $0x1BF5;
	p2 =	por !p2, p0  }
0x20: {  	[sflag:s8] =	ssyncset.s32 @!p0 $0xFFFFF086;
	s6 =	sadd.s32 @!p0 s3, s7;
	s7 =	simm.s32 @!p0 $0x108  }
0x21: {  	s3 =	sadd.s32 s3, s9;
	s6 =	sadd.s32 @!p0 $0x88, s6;
	s7 =	simm.s32 @p2 $0x1082  }
0x22: {  	[simem:s7], [sflag:s8] =	dma.local @!p0 [hbm:s6], $0xF7A  }
0x23: {  	s9 =	sor.u32 $0xD0000000, s2;
	s6 =	simm.s32 $0x108;
	_ =	swait.ge @!p0 [sflag:s8], $0x0  }
0x24: {  	s3 =	sadd.s32 $0x88, s3;
	s6 =	simm.s32 @!p1 $0x1082;
	[sflag:s4] =	ssyncset.s32 $0xFFFFF086  }
0x25: {  	[simem:s6], [sflag:s4] =	dma.local [hbm:s3], $0xF7A  }
0x26: {  	[smem:$0x3F9D] =	sst s1;
	(tag) =	ssettag s2;
	_ =	strace s9  }
0x27: {  	s1 =	sld [smem:$0x3FAD]  }
0x28: {  	s2 =	sld [smem:$0x3FAE]  }
0x29: {  	s4 =	sld [smem:$0x3FB0]  }
0x2a: {  	p0 =	seq.s32 s5, $0x0;
	s5 =	sld [smem:$0x3FB1]  }
0x2b: {  	s6 =	sld [smem:$0x3FB2]  }
0x2c: {  	s7 =	sld [smem:$0x3FB3]  }
0x2d: {  	s3 =	simm.s32 $0x108;
	s8 =	sld [smem:$0x3FB4]  }
0x2e: {  	s3 =	simm.s32 @!p0 $0x1082;
	s9 =	sld [smem:$0x3FB5]  }
0x2f: {  	lr =	sadd.s32 s0, s3;
	s0 =	sld [smem:$0x3FAC]  }
0x30: {  	s3 =	sld [smem:$0x3FAF]  }
0x31: {  	[smem:$0x3FB8] =	sst s10  }
0x32: {  	s10 =	sld [smem:$0x3FB6];
	_ =	sdelay $0x3  }
0x33: {  	p0 =	seq.s32 s10, $0x1;
	s10 =	sld [smem:$0x3FB8];
	_ =	sdelay $0x3  }
0x34: {  	[smem:$0x3FB8] =	sst s10  }
0x35: {  	s10 =	sld [smem:$0x3FB7];
	_ =	sdelay $0x3  }
0x36: {  	p1 =	seq.s32 s10, $0x1;
	s10 =	sld [smem:$0x3FB8];
	_ =	sdelay $0x3  }
0x37: {  	[smem:$0x3FB8] =	sst s10  }
0x38: {  	s10 =	sld [smem:$0x3FB9]  }
0x39: {  	_ = 	snop;
	(pc) =	sbr.ind lr, $3  }
0x3a: {  	_ = 	snop  }
0x3b: {  	_ = 	snop  }
0x3c: {  	p2 =	seq.s32 s10, $0x1;
	s10 =	sld [smem:$0x3FB8]  }
0x3d: {  	_ =	shalt  }
0x3e: {  	_ =	shalt  }
0x3f: {  	_ =	shalt  }
0x40: {  	_ =	shalt  }
0x41: {  	_ =	shalt  }
0x42: {  	_ =	shalt  }
0x43: {  	_ =	shalt  }
0x44: {  	_ =	shalt  }
0x45: {  	_ =	shalt  }
0x46: {  	_ =	shalt  }
0x47: {  	_ =	shalt  }
0x48: {  	_ =	shalt  }
0x49: {  	_ =	shalt  }
0x4a: {  	_ =	shalt  }
0x4b: {  	_ =	shalt  }
0x4c: {  	_ =	shalt  }
0x4d: {  	_ =	shalt  }
0x4e: {  	_ =	shalt  }
0x4f: {  	_ =	shalt  }
0x50: {  	_ =	shalt  }
0x51: {  	_ =	shalt  }
0x52: {  	_ =	shalt  }
0x53: {  	_ =	shalt  }
0x54: {  	_ =	shalt  }
0x55: {  	_ =	shalt  }
0x56: {  	_ =	shalt  }
0x57: {  	_ =	shalt  }
0x58: {  	_ =	shalt  }
0x59: {  	_ =	shalt  }
0x5a: {  	_ =	shalt  }
0x5b: {  	_ =	shalt  }
0x5c: {  	_ =	shalt  }
0x5d: {  	_ =	shalt  }
0x5e: {  	_ =	shalt  }
0x5f: {  	_ =	shalt  }
0x60: {  	_ =	shalt  }
0x61: {  	_ =	shalt  }
0x62: {  	_ =	shalt  }
0x63: {  	_ =	shalt  }
0x64: {  	_ =	shalt  }
0x65: {  	_ =	shalt  }
0x66: {  	_ =	shalt  }
0x67: {  	_ =	shalt  }
0x68: {  	_ =	shalt  }
0x69: {  	_ =	shalt  }
0x6a: {  	_ =	shalt  }
0x6b: {  	_ =	shalt  }
0x6c: {  	_ =	shalt  }
0x6d: {  	_ =	shalt  }
0x6e: {  	_ =	shalt  }
0x6f: {  	_ =	shalt  }
0x70: {  	_ =	shalt  }
0x71: {  	_ =	shalt  }
0x72: {  	_ =	shalt  }
0x73: {  	_ =	shalt  }
0x74: {  	_ =	shalt  }
0x75: {  	_ =	shalt  }
0x76: {  	_ =	shalt  }
0x77: {  	_ =	shalt  }
0x78: {  	_ =	shalt  }
0x79: {  	_ =	shalt  }
0x7a: {  	_ =	shalt  }
0x7b: {  	_ =	shalt  }
0x7c: {  	_ =	shalt  }
0x7d: {  	_ =	shalt  }
0x7e: {  	_ =	shalt  }
0x7f: {  	_ =	shalt  }
0x80: {  	_ =	shalt  }
0x81: {  	_ =	shalt  }
0x82: {  	_ =	shalt  }
0x83: {  	_ =	shalt  }
0x84: {  	_ =	shalt  }
0x85: {  	_ =	shalt  }
0x86: {  	_ =	shalt  }
0x87: {  	_ =	shalt  }
.Lfunc_end0:
.L_simem_size_0:
called_computation.2_lowered:
.L_overlay_start_0:
0x88: {  	s2 =	sld [smem:$0x3FD9]  }
0x89: {  	s3 =	sld [smem:$0x3FFE];
	_ =	sdelay $0x1  }
0x8a: {  	s1 =	srdreg.scid  }
0x8b: {  	s0 =	sand.u32 $0x1, s1  }
0x8c: {  	s16 =	sshll.u32 s0, $0xA;
	s2 =	sadd.s32 s3, s2  }
0x8d: {  	s2 =	sadd.s32 s2, s16  }
0x8e: {  	[smem:$0x3FC4] =	sst s2  }
0x8f: {  	_ = 	snop  }
0x90: {  	(tm) =	ssettm $0x1  }
0x91: {  	s17 =	sld [smem:$0x3FFB];
	_ =	sdelay $0x3  }
0x92: {  	_ =	strace s17  }
0x93: {  	s2 =	sld [smem:$0x3FFC];
	_ =	sdelay $0x3  }
0x94: {  	_ =	strace s2  }
0x95: {  	s2 =	sld [smem:$0x3FFD];
	_ =	sdelay $0x3  }
0x96: {  	_ =	strace s2  }
0x97: {  	_ =	strace $0x8FFFFFFF  }
0x98: {  	s18 =	sld [smem:$0x3FDB];
	_ =	sdelay $0x1  }
0x99: {  	s19 =	simm.s32 $_scs_section_size  }
0x9a: {  	s4 =	simm.s32 $_size__tile_overlayer_lowered;
	s5 =	simm.s32 $_tile_overlayer_lowered  }
0x9b: {  	s22 =	simm.s32 $0x1BFF;
	s21 =	sshll.u32 s5, $0x1;
	s2 =	sadd.s32 s19, s18  }
0x9c: {  	s6 =	simm.s32 $0x0;
	s20 =	sshll.u32 s4, $0x1;
	s4 =	sadd.s32 s21, s2  }
0x9d: {  	[timem:s6], [sflag:s22] =	dma.local [hbm:s4], s20  }
0x9e: {  	_ =	swait.ge [sflag:s22], s20  }
0x9f: {  	s3 =	ssub.s32 $0x0, s20;
	[sflag:s22] =	ssyncset.done $0x0  }
0xa0: {  	[sflag:s22] =	ssyncadd.s32 s3;
	_ =	sdelay $0x1  }
0xa1: {  	s23 =	simm.s32 $0x1B8B  }
0xa2: {  	_ =	swait.ge [sflag:s23], $0x1  }
0xa3: {  	[sflag:s23] =	ssyncset.done $0x0  }
0xa4: {  	s25 =	simm.s32 $0x1B8E;
	s24 =	sld [smem:$0x3FFE];
	[sflag:s23] =	ssyncadd.s32 $0xFFFFFFFF  }
0xa5: {  	s26 =	simm.s32 $execute0_lowered;
	[smem:$0x3FD2] =	sst s25  }
0xa6: {  	s4 =	sshll.u32 s26, $0x1;
	_ =	strace $0x8000004C;
	[dreg:$0x1] =	wrdreg $0xFFFFFFFF  }
0xa7: {  	s28 =	simm.s32 $_size_execute0_lowered;
	s2 =	sadd.s32 s2, s4;
	[dreg:$0x0] =	wrdreg $0x0  }
0xa8: {  	s4 =	sshll.u32 s28, $0x1;
	[dreg:$0x2] =	wrdreg s2  }
0xa9: {  	[dreg:$0x3] =	wrdreg s4  }
0xaa: {  	[dreg:$0x4] =	wrdreg $0xC0  }
0xab: {  	_ =	task [dreg:s6], $0x5FFFF  }
0xac: {  	[dreg:$0x1] =	wrdreg $0xFFFFFFFF  }
0xad: {  	[dreg:$0x0] =	wrdreg $0x60  }
0xae: {  	[dreg:$0x2] =	wrdreg s24  }
0xaf: {  	[dreg:$0x3] =	wrdreg $0x9  }
0xb0: {  	_ =	task.clear_ibuf [dreg:s6], $0x4FFFF;
	_ =	strace $0x9000004C  }
0xb1: {  	s29 =	simm.s32 $0x9;
	_ =	strace $0x8000004E  }
0xb2: {  	_ =	swait.ge [sflag:s29], $0x1  }
0xb3: {  	[sflag:s29] =	ssyncadd.s32 $0xFFFFFFFF  }
0xb4: {  	_ =	strace $0x9000004E  }
0xb5: {  	_ =	sfence  }
0xb6: {  	s30 =	sld [smem:$0x0];
	_ =	sdelay $0x2  }
0xb7: {  	s31 =	sshll.u32 s1, $0xD;
	s1 =	sshrl.u32 s1, $0x2  }
0xb8: {  	s3 =	sand.u32 $0x4000, s31;
	s1 =	sadd.s32 s1, s30  }
0xb9: {  	s0 =	sor.u32 s3, s0;
	s1 =	sshll.u32 s1, $0x11  }
0xba: {  	s0 =	sor.u32 s1, s0  }
0xbb: {  	s0 =	sadd.s32 $0x8F2B, s0  }
0xbc: {  	[sflag:s0] =	ssyncadd.remote.s32 $0x1  }
0xbd: {  	_ =	sfence.sel $0xFFFF  }
0xbe: {  	[dreg:$0x0] =	wrdreg $0xFFFFFFFF;
	(pc) =	sbr.abs _section_cstart, $3  }
0xbf: {  	[dreg:$0x1] =	wrdreg $0xFFFFFFFF  }
0xc0: {  	_ =	task.clear_ibuf [dreg:s6], $0x2FFFF;
	_ =	strace $0x9FFFFFFF  }
0xc1: {  	(tm) =	ssettm $0x7FFFFFFF  }
tec
execute0_lowered:
.L_overlay_start_1:
0x0: {  	(tag) =	ssettag $0x1  }
0x1: {  	s1 =	srdreg.scid  }
0x2: {  	s0 =	stileid.u32;
	s1 =	sand.u32 $0x1, s1  }
0x3: {  	s2 =	sshll.u32 s0, $0x5;
	s3 =	sshll.u32 s1, $0x4  }
0x4: {  	s5 =	rddreg [dreg:$0x0];
	s3 =	sor.u32 s3, s2;
	s2 =	simm.s32 $0x0  }
0x5: {  	s26 =	simm.s32 $0x880;
	[smem:$0x7FF] =	sst s2  }
0x6: {  	s0 =	simm.s32 $0x1080;
	_ =	strace $0x8000004D;
	[dreg:$0x4] =	wrdreg s26  }
0x7: {  	s6 =	simm.s32 $0x2080;
	[dreg:$0x5] =	wrdreg s0  }
0x8: {  	s7 =	simm.s32 $0x2880;
	[dreg:$0x7] =	wrdreg s6  }
0x9: {  	s8 =	simm.s32 $0x3080;
	[dreg:$0x8] =	wrdreg s7  }
0xa: {  	s9 =	simm.s32 $0x3880;
	[dreg:$0x9] =	wrdreg s8  }
0xb: {  	s10 =	simm.s32 $0x4080;
	[dreg:$0xa] =	wrdreg s9  }
0xc: {  	s11 =	simm.s32 $0x4880;
	[dreg:$0xb] =	wrdreg s10  }
0xd: {  	s12 =	simm.s32 $0x5080;
	[dreg:$0xc] =	wrdreg s11  }
0xe: {  	s13 =	simm.s32 $0x5880;
	[dreg:$0xd] =	wrdreg s12  }
0xf: {  	s14 =	simm.s32 $0x6080;
	[dreg:$0xe] =	wrdreg s13  }
0x10: {  	s15 =	simm.s32 $0x6880;
	[dreg:$0xf] =	wrdreg s14  }
0x11: {  	s16 =	simm.s32 $0x7080;
	[dreg:$0x10] =	wrdreg s15  }
0x12: {  	s17 =	simm.s32 $0x7880;
	s18 =	simm.s32 $0x8080;
	[dreg:$0x11] =	wrdreg s16  }
0x13: {  	s19 =	simm.s32 $0x8880;
	s20 =	simm.s32 $0x9080;
	[dreg:$0x12] =	wrdreg s17  }
0x14: {  	s21 =	simm.s32 $0x9880;
	s22 =	simm.s32 $0xA080;
	[dreg:$0x13] =	wrdreg s18  }
0x15: {  	s23 =	simm.s32 $0xA880;
	s24 =	simm.s32 $0xB880;
	[dreg:$0x14] =	wrdreg s19  }
0x16: {  	s28 =	simm.s32 $0x16080;
	s29 =	simm.s32 $0x16880;
	[dreg:$0x15] =	wrdreg s20  }
0x17: {  	s30 =	simm.s32 $0x17080;
	s31 =	simm.s32 $0x17880;
	[dreg:$0x16] =	wrdreg s21  }
0x18: {  	s4 =	smul.u32 $0x300, s3;
	s3 =	sadd.s32 s3, s5;
	[dreg:$0x17] =	wrdreg s22  }
0x19: {  	s1 =	ssub.s32 $0x2, s1;
	s3 =	sadd.s32 $0x10000, s3;
	[dreg:$0x18] =	wrdreg s23  }
0x1a: {  	s6 =	sshrl.u32 s1, $0x1;
	s7 =	simm.s32 $0xB080;
	[dreg:$0x1a] =	wrdreg s24  }
0x1b: {  	s8 =	simm.s32 $0x80;
	s26 =	simm.s32 $0xC880;
	s10 =	simm.s32 $0xD880  }
0x1c: {  	s11 =	simm.s32 $0xE080;
	s12 =	simm.s32 $0xE880;
	s13 =	simm.s32 $0xF080  }
0x1d: {  	s14 =	simm.s32 $0xF880;
	s15 =	simm.s32 $0x10080;
	s16 =	simm.s32 $0x10880  }
0x1e: {  	s17 =	simm.s32 $0x11080;
	s18 =	simm.s32 $0x11880;
	s19 =	simm.s32 $0x12080  }
0x1f: {  	s20 =	simm.s32 $0x12880;
	s21 =	simm.s32 $0x13080;
	s22 =	simm.s32 $0x13880  }
0x20: {  	s23 =	simm.s32 $0x14080;
	s24 =	simm.s32 $0x14880;
	[dreg:$0x2] =	wrdreg s3  }
0x21: {  	s4 =	sadd.s32 s4, s5;
	s3 =	sadd.s32 $0x130E00, s5;
	[dreg:$0x19] =	wrdreg s7  }
0x22: {  	s1 =	ssub.s32 s1, s6;
	s7 =	simm.s32 $0x2;
	[dreg:$0x1c] =	wrdreg s26  }
0x23: {  	s26 =	simm.s32 $0x15880;
	s25 =	sadd.s32 $0x10200, s4;
	s4 =	simm.s32 $0x1880  }
0x24: {  	v2 =	vlaneseq.u32;
	s6 =	smax.u32 s1, $0x1;
	s1 =	simm.s32 $0x1;
	[dreg:$0x3] =	wrdreg s25  }
0x25: {  	vm0 =	vmmov $0xffff;
	v1 =	vshrl.u32 v2, $0x3;
	[dreg:$0x6] =	wrdreg s4;
	s4 =	sadd.s32 $0x130F00, s5;
	s25 =	simm.s32 $0xC080  }
0x26: {  	v0 =	vand.u32 $0x7, v2;
	v2 =	vor.u32 $0x8, v2;
	v1 =	vmul.u32 $0x8, v1;
	s5 =	sadd.s32 $0x131000, s5;
	[dreg:$0x1b] =	wrdreg s25;
	s25 =	simm.s32 $0x15080  }
.LBB2_1:
0x27: {  	s0 =	rddreg [dreg:$0x2]  }
0x28: {  	[tilespmem:s2], [sflag:$0x2] =	stream.linear.gather [hbm4b:s0+s2], $0x80, $0x38;
	[tilespmem:$0x18080] =	vst v63  }
0x29: {  	_ =	swait.ge [sflag:s7], $0x80  }
0x2a: {  	[sflag:s7] =	ssyncset.done $0x0  }
0x2b: {  	[sflag:s7] =	ssyncadd.s32 $0xFFFFFF80  }
0x2c: {  	v3 =	vld [tilespmem:$0x0];
	_ =	sdelay $0x4  }
0x2d: {  	v4 =	vshrl.u32 v3, $0x3  }
0x2e: {  	v4 =	vmul.u32 $0x30, v4  }
0x2f: {  	v3 =	vand.u32 $0x7, v3  }
0x30: {  	v3 =	vor.u32 v3, v4  }
0x31: {  	v4 =	vperm.xlane v3, v0;
	_ =	sdelay $0x1  }
0x32: {  	v4 =	vadd.s32 v1, v4;
	_ =	sdelay $0x3  }
0x33: {  	v3 =	vperm.xlane v3, v2  }
0x34: {  	[tilespmem:s8], [sflag:$0x1] =	stream.indirect_vreg.gather [hbm4b:s3+s2], $0x80, v4, vm0, $0xb8;
	[tilespmem:$0x18080] =	vst v63  }
0x35: {  	s0 =	rddreg [dreg:$0x4];
	v3 =	vadd.s32 v1, v3  }
0x36: {  	[tilespmem:s0], [sflag:$0x1] =	stream.indirect_vreg.gather [hbm4b:s4+s2], $0x80, v4, vm0, $0xb8;
	[tilespmem:$0x18080] =	vst v63  }
0x37: {  	s9 =	rddreg [dreg:$0x5]  }
0x38: {  	[tilespmem:s9], [sflag:$0x1] =	stream.indirect_vreg.gather [hbm4b:s5+s2], $0x80, v4, vm0, $0xb8;
	[tilespmem:$0x18080] =	vst v63  }
0x39: {  	s0 =	rddreg [dreg:$0x6]  }
0x3a: {  	[tilespmem:s0], [sflag:$0x1] =	stream.indirect_vreg.gather [hbm4b:s3+s2], $0x80, v3, vm0, $0xb8;
	[tilespmem:$0x18080] =	vst v63  }
0x3b: {  	s9 =	rddreg [dreg:$0x7]  }
0x3c: {  	[tilespmem:s9], [sflag:$0x1] =	stream.indirect_vreg.gather [hbm4b:s4+s2], $0x80, v3, vm0, $0xb8;
	[tilespmem:$0x18080] =	vst v63  }
0x3d: {  	s0 =	rddreg [dreg:$0x8]  }
0x3e: {  	[tilespmem:s0], [sflag:$0x1] =	stream.indirect_vreg.gather [hbm4b:s5+s2], $0x80, v3, vm0, $0xb8;
	[tilespmem:$0x18080] =	vst v63  }
0x3f: {  	v3 =	vld [tilespmem:$0x10];
	_ =	sdelay $0x4  }
0x40: {  	v57 =	vshrl.u32 v3, $0x3  }
0x41: {  	v4 =	vmul.u32 $0x30, v57  }
0x42: {  	v3 =	vand.u32 $0x7, v3  }
0x43: {  	v3 =	vor.u32 v3, v4  }
0x44: {  	v4 =	vperm.xlane v3, v0;
	_ =	sdelay $0x1  }
0x45: {  	v4 =	vadd.s32 v1, v4;
	_ =	sdelay $0x3  }
0x46: {  	s0 =	rddreg [dreg:$0x9];
	v3 =	vperm.xlane v3, v2  }
0x47: {  	[tilespmem:s0], [sflag:$0x1] =	stream.indirect_vreg.gather [hbm4b:s3+s2], $0x80, v4, vm0, $0xb8;
	[tilespmem:$0x18080] =	vst v63  }
0x48: {  	s9 =	rddreg [dreg:$0xa];
	v3 =	vadd.s32 v1, v3  }
0x49: {  	[tilespmem:s9], [sflag:$0x1] =	stream.indirect_vreg.gather [hbm4b:s4+s2], $0x80, v4, vm0, $0xb8;
	[tilespmem:$0x18080] =	vst v63  }
0x4a: {  	s0 =	rddreg [dreg:$0xb]  }
0x4b: {  	[tilespmem:s0], [sflag:$0x1] =	stream.indirect_vreg.gather [hbm4b:s5+s2], $0x80, v4, vm0, $0xb8;
	[tilespmem:$0x18080] =	vst v63  }
0x4c: {  	s9 =	rddreg [dreg:$0xc]  }
0x4d: {  	[tilespmem:s9], [sflag:$0x1] =	stream.indirect_vreg.gather [hbm4b:s3+s2], $0x80, v3, vm0, $0xb8;
	[tilespmem:$0x18080] =	vst v63  }
0x4e: {  	s0 =	rddreg [dreg:$0xd]  }
0x4f: {  	[tilespmem:s0], [sflag:$0x1] =	stream.indirect_vreg.gather [hbm4b:s4+s2], $0x80, v3, vm0, $0xb8;
	[tilespmem:$0x18080] =	vst v63  }
0x50: {  	s9 =	rddreg [dreg:$0xe]  }
0x51: {  	[tilespmem:s9], [sflag:$0x1] =	stream.indirect_vreg.gather [hbm4b:s5+s2], $0x80, v3, vm0, $0xb8;
	[tilespmem:$0x18080] =	vst v63  }
0x52: {  	v3 =	vld [tilespmem:$0x20];
	_ =	sdelay $0x4  }
0x53: {  	v58 =	vshrl.u32 v3, $0x3  }
0x54: {  	v4 =	vmul.u32 $0x30, v58  }
0x55: {  	v3 =	vand.u32 $0x7, v3  }
0x56: {  	v3 =	vor.u32 v3, v4  }
0x57: {  	v4 =	vperm.xlane v3, v0;
	_ =	sdelay $0x1  }
0x58: {  	v4 =	vadd.s32 v1, v4;
	_ =	sdelay $0x3  }
0x59: {  	s0 =	rddreg [dreg:$0xf];
	v3 =	vperm.xlane v3, v2  }
0x5a: {  	[tilespmem:s0], [sflag:$0x1] =	stream.indirect_vreg.gather [hbm4b:s3+s2], $0x80, v4, vm0, $0xb8;
	[tilespmem:$0x18080] =	vst v63  }
0x5b: {  	s9 =	rddreg [dreg:$0x10];
	v3 =	vadd.s32 v1, v3  }
0x5c: {  	[tilespmem:s9], [sflag:$0x1] =	stream.indirect_vreg.gather [hbm4b:s4+s2], $0x80, v4, vm0, $0xb8;
	[tilespmem:$0x18080] =	vst v63  }
0x5d: {  	s0 =	rddreg [dreg:$0x11]  }
0x5e: {  	[tilespmem:s0], [sflag:$0x1] =	stream.indirect_vreg.gather [hbm4b:s5+s2], $0x80, v4, vm0, $0xb8;
	[tilespmem:$0x18080] =	vst v63  }
0x5f: {  	s9 =	rddreg [dreg:$0x12]  }
0x60: {  	[tilespmem:s9], [sflag:$0x1] =	stream.indirect_vreg.gather [hbm4b:s3+s2], $0x80, v3, vm0, $0xb8;
	[tilespmem:$0x18080] =	vst v63  }
0x61: {  	s0 =	rddreg [dreg:$0x13]  }
0x62: {  	[tilespmem:s0], [sflag:$0x1] =	stream.indirect_vreg.gather [hbm4b:s4+s2], $0x80, v3, vm0, $0xb8;
	[tilespmem:$0x18080] =	vst v63  }
0x63: {  	s9 =	rddreg [dreg:$0x14]  }
0x64: {  	[tilespmem:s9], [sflag:$0x1] =	stream.indirect_vreg.gather [hbm4b:s5+s2], $0x80, v3, vm0, $0xb8;
	[tilespmem:$0x18080] =	vst v63  }
0x65: {  	v3 =	vld [tilespmem:$0x30];
	_ =	sdelay $0x4  }
0x66: {  	v59 =	vshrl.u32 v3, $0x3  }
0x67: {  	v4 =	vmul.u32 $0x30, v59  }
0x68: {  	v3 =	vand.u32 $0x7, v3  }
0x69: {  	v3 =	vor.u32 v3, v4  }
0x6a: {  	v4 =	vperm.xlane v3, v0;
	_ =	sdelay $0x1  }
0x6b: {  	v4 =	vadd.s32 v1, v4;
	_ =	sdelay $0x3  }
0x6c: {  	s0 =	rddreg [dreg:$0x15];
	v3 =	vperm.xlane v3, v2  }
0x6d: {  	[tilespmem:s0], [sflag:$0x1] =	stream.indirect_vreg.gather [hbm4b:s3+s2], $0x80, v4, vm0, $0xb8;
	[tilespmem:$0x18080] =	vst v63  }
0x6e: {  	s9 =	rddreg [dreg:$0x16];
	v3 =	vadd.s32 v1, v3  }
0x6f: {  	[tilespmem:s9], [sflag:$0x1] =	stream.indirect_vreg.gather [hbm4b:s4+s2], $0x80, v4, vm0, $0xb8;
	[tilespmem:$0x18080] =	vst v63  }
0x70: {  	s0 =	rddreg [dreg:$0x17]  }
0x71: {  	[tilespmem:s0], [sflag:$0x1] =	stream.indirect_vreg.gather [hbm4b:s5+s2], $0x80, v4, vm0, $0xb8;
	[tilespmem:$0x18080] =	vst v63  }
0x72: {  	s9 =	rddreg [dreg:$0x18]  }
0x73: {  	[tilespmem:s9], [sflag:$0x1] =	stream.indirect_vreg.gather [hbm4b:s3+s2], $0x80, v3, vm0, $0xb8;
	[tilespmem:$0x18080] =	vst v63  }
0x74: {  	s0 =	rddreg [dreg:$0x19]  }
0x75: {  	[tilespmem:s0], [sflag:$0x1] =	stream.indirect_vreg.gather [hbm4b:s4+s2], $0x80, v3, vm0, $0xb8;
	[tilespmem:$0x18080] =	vst v63  }
0x76: {  	s9 =	rddreg [dreg:$0x1a]  }
0x77: {  	[tilespmem:s9], [sflag:$0x1] =	stream.indirect_vreg.gather [hbm4b:s5+s2], $0x80, v3, vm0, $0xb8;
	[tilespmem:$0x18080] =	vst v63  }
0x78: {  	v3 =	vld [tilespmem:$0x40];
	_ =	sdelay $0x4  }
0x79: {  	v60 =	vshrl.u32 v3, $0x3  }
0x7a: {  	v4 =	vmul.u32 $0x30, v60  }
0x7b: {  	v3 =	vand.u32 $0x7, v3  }
0x7c: {  	v3 =	vor.u32 v3, v4  }
0x7d: {  	v4 =	vperm.xlane v3, v0;
	_ =	sdelay $0x1  }
0x7e: {  	v4 =	vadd.s32 v1, v4;
	_ =	sdelay $0x3  }
0x7f: {  	s0 =	rddreg [dreg:$0x1b];
	v3 =	vperm.xlane v3, v2  }
0x80: {  	[tilespmem:s0], [sflag:$0x1] =	stream.indirect_vreg.gather [hbm4b:s3+s2], $0x80, v4, vm0, $0xb8;
	[tilespmem:$0x18080] =	vst v63  }
0x81: {  	s9 =	rddreg [dreg:$0x1c];
	v3 =	vadd.s32 v1, v3  }
0x82: {  	[tilespmem:s9], [sflag:$0x1] =	stream.indirect_vreg.gather [hbm4b:s4+s2], $0x80, v4, vm0, $0xb8;
	[tilespmem:$0x18080] =	vst v63  }
0x83: {  	s9 =	simm.s32 $0xD080  }
0x84: {  	[tilespmem:s9], [sflag:$0x1] =	stream.indirect_vreg.gather [hbm4b:s5+s2], $0x80, v4, vm0, $0xb8;
	[tilespmem:$0x18080] =	vst v63  }
0x85: {  	_ = 	snop  }
0x86: {  	[tilespmem:s10], [sflag:$0x1] =	stream.indirect_vreg.gather [hbm4b:s3+s2], $0x80, v3, vm0, $0xb8;
	[tilespmem:$0x18080] =	vst v63  }
0x87: {  	_ = 	snop  }
0x88: {  	[tilespmem:s11], [sflag:$0x1] =	stream.indirect_vreg.gather [hbm4b:s4+s2], $0x80, v3, vm0, $0xb8;
	[tilespmem:$0x18080] =	vst v63  }
0x89: {  	_ = 	snop  }
0x8a: {  	[tilespmem:s12], [sflag:$0x1] =	stream.indirect_vreg.gather [hbm4b:s5+s2], $0x80, v3, vm0, $0xb8;
	[tilespmem:$0x18080] =	vst v63  }
0x8b: {  	v3 =	vld [tilespmem:$0x50];
	_ =	sdelay $0x4  }
0x8c: {  	v61 =	vshrl.u32 v3, $0x3  }
0x8d: {  	v4 =	vmul.u32 $0x30, v61  }
0x8e: {  	v3 =	vand.u32 $0x7, v3  }
0x8f: {  	v3 =	vor.u32 v3, v4  }
0x90: {  	v4 =	vperm.xlane v3, v0;
	_ =	sdelay $0x1  }
0x91: {  	v4 =	vadd.s32 v1, v4;
	_ =	sdelay $0x3  }
0x92: {  	v3 =	vperm.xlane v3, v2  }
0x93: {  	[tilespmem:s13], [sflag:$0x1] =	stream.indirect_vreg.gather [hbm4b:s3+s2], $0x80, v4, vm0, $0xb8;
	[tilespmem:$0x18080] =	vst v63  }
0x94: {  	v3 =	vadd.s32 v1, v3  }
0x95: {  	[tilespmem:s14], [sflag:$0x1] =	stream.indirect_vreg.gather [hbm4b:s4+s2], $0x80, v4, vm0, $0xb8;
	[tilespmem:$0x18080] =	vst v63  }
0x96: {  	_ = 	snop  }
0x97: {  	[tilespmem:s15], [sflag:$0x1] =	stream.indirect_vreg.gather [hbm4b:s5+s2], $0x80, v4, vm0, $0xb8;
	[tilespmem:$0x18080] =	vst v63  }
0x98: {  	_ = 	snop  }
0x99: {  	[tilespmem:s16], [sflag:$0x1] =	stream.indirect_vreg.gather [hbm4b:s3+s2], $0x80, v3, vm0, $0xb8;
	[tilespmem:$0x18080] =	vst v63  }
0x9a: {  	_ = 	snop  }
0x9b: {  	[tilespmem:s17], [sflag:$0x1] =	stream.indirect_vreg.gather [hbm4b:s4+s2], $0x80, v3, vm0, $0xb8;
	[tilespmem:$0x18080] =	vst v63  }
0x9c: {  	_ = 	snop  }
0x9d: {  	[tilespmem:s18], [sflag:$0x1] =	stream.indirect_vreg.gather [hbm4b:s5+s2], $0x80, v3, vm0, $0xb8;
	[tilespmem:$0x18080] =	vst v63  }
0x9e: {  	v3 =	vld [tilespmem:$0x60];
	_ =	sdelay $0x4  }
0x9f: {  	v62 =	vshrl.u32 v3, $0x3  }
0xa0: {  	v4 =	vmul.u32 $0x30, v62  }
0xa1: {  	v3 =	vand.u32 $0x7, v3  }
0xa2: {  	v3 =	vor.u32 v3, v4  }
0xa3: {  	v4 =	vperm.xlane v3, v0;
	_ =	sdelay $0x1  }
0xa4: {  	v4 =	vadd.s32 v1, v4;
	_ =	sdelay $0x3  }
0xa5: {  	v3 =	vperm.xlane v3, v2  }
0xa6: {  	[tilespmem:s19], [sflag:$0x1] =	stream.indirect_vreg.gather [hbm4b:s3+s2], $0x80, v4, vm0, $0xb8;
	[tilespmem:$0x18080] =	vst v63  }
0xa7: {  	v3 =	vadd.s32 v1, v3  }
0xa8: {  	[tilespmem:s20], [sflag:$0x1] =	stream.indirect_vreg.gather [hbm4b:s4+s2], $0x80, v4, vm0, $0xb8;
	[tilespmem:$0x18080] =	vst v63  }
0xa9: {  	_ = 	snop  }
0xaa: {  	[tilespmem:s21], [sflag:$0x1] =	stream.indirect_vreg.gather [hbm4b:s5+s2], $0x80, v4, vm0, $0xb8;
	[tilespmem:$0x18080] =	vst v63  }
0xab: {  	_ = 	snop  }
0xac: {  	[tilespmem:s22], [sflag:$0x1] =	stream.indirect_vreg.gather [hbm4b:s3+s2], $0x80, v3, vm0, $0xb8;
	[tilespmem:$0x18080] =	vst v63  }
0xad: {  	_ = 	snop  }
0xae: {  	[tilespmem:s23], [sflag:$0x1] =	stream.indirect_vreg.gather [hbm4b:s4+s2], $0x80, v3, vm0, $0xb8;
	[tilespmem:$0x18080] =	vst v63  }
0xaf: {  	_ = 	snop  }
0xb0: {  	[tilespmem:s24], [sflag:$0x1] =	stream.indirect_vreg.gather [hbm4b:s5+s2], $0x80, v3, vm0, $0xb8;
	[tilespmem:$0x18080] =	vst v63  }
0xb1: {  	v3 =	vld [tilespmem:$0x70];
	_ =	sdelay $0x4  }
0xb2: {  	v63 =	vshrl.u32 v3, $0x3  }
0xb3: {  	v4 =	vmul.u32 $0x30, v63  }
0xb4: {  	v3 =	vand.u32 $0x7, v3  }
0xb5: {  	v3 =	vor.u32 v3, v4  }
0xb6: {  	v4 =	vperm.xlane v3, v0;
	_ =	sdelay $0x1  }
0xb7: {  	v4 =	vadd.s32 v1, v4;
	_ =	sdelay $0x3  }
0xb8: {  	v3 =	vperm.xlane v3, v2  }
0xb9: {  	[tilespmem:s25], [sflag:$0x1] =	stream.indirect_vreg.gather [hbm4b:s3+s2], $0x80, v4, vm0, $0xb8;
	[tilespmem:$0x18080] =	vst v63  }
0xba: {  	v3 =	vadd.s32 v1, v3  }
0xbb: {  	[tilespmem:s26], [sflag:$0x1] =	stream.indirect_vreg.gather [hbm4b:s4+s2], $0x80, v4, vm0, $0xb8;
	[tilespmem:$0x18080] =	vst v63  }
0xbc: {  	_ = 	snop  }
0xbd: {  	[tilespmem:s28], [sflag:$0x1] =	stream.indirect_vreg.gather [hbm4b:s5+s2], $0x80, v4, vm0, $0xb8;
	[tilespmem:$0x18080] =	vst v63  }
0xbe: {  	_ = 	snop  }
0xbf: {  	[tilespmem:s29], [sflag:$0x1] =	stream.indirect_vreg.gather [hbm4b:s3+s2], $0x80, v3, vm0, $0xb8;
	[tilespmem:$0x18080] =	vst v63  }
0xc0: {  	_ = 	snop  }
0xc1: {  	[tilespmem:s30], [sflag:$0x1] =	stream.indirect_vreg.gather [hbm4b:s4+s2], $0x80, v3, vm0, $0xb8;
	[tilespmem:$0x18080] =	vst v63  }
0xc2: {  	_ = 	snop  }
0xc3: {  	[tilespmem:s31], [sflag:$0x1] =	stream.indirect_vreg.gather [hbm4b:s5+s2], $0x80, v3, vm0, $0xb8;
	[tilespmem:$0x18080] =	vst v63  }
0xc4: {  	_ =	swait.ge [sflag:s1], $0x18000  }
0xc5: {  	p0 =	sne.s32 s6, $0x1;
	[sflag:s1] =	ssyncset.done $0x0  }
.Ltmp0:
0xc6: {  	s9 =	rddreg [dreg:$0x3];
	[sflag:s1] =	ssyncadd.s32 $0xFFFE8000;
	(pc) =	sbr.rel @p0 .LBB2_1-.Ltmp0, $4  }
0xc7: {  	[hbm4b:s9+s2] =	stream.linear.scatter [tilespmem:s8], [sflag:$0x2], $0x18000, $0x38;
	[tilespmem:$0x18080] =	vst v63  }
0xc8: {  	_ =	swait.ge [sflag:s7], $0x18000  }
0xc9: {  	[sflag:s7] =	ssyncset.done $0x0  }
0xca: {  	s6 =	sadd.s32 $0xFFFFFFFF, s6;
	[sflag:s7] =	ssyncadd.s32 $0xFFFE8000  }
0xcb: {  	_ =	sfence.sel $0x180000  }
0xcc: {  	[bflag:$0x0] =	sbarrier.arrive $0xFFFF  }
0xcd: {  	_ =	strace $0x9000004D  }
0xce: {  	s0 =	stileid.u32;
	[bflag:$0x2] =	sbarrier.arrive $0xFFFF  }
0xcf: {  	p0 =	sne.s32 s0, $0x0;
	s0 =	rddreg [dreg:$0x1]  }
0xd0: {  	s0 =	sadd.s32 @!p0 $0x100000, s0  }
0xd1: {  	[sflag:s0] =	ssyncadd.tile.s32 @!p0 $0x1;
	_ =	shalt  }
.Lfunc_end2:
_tile_overlayer_lowered:
.L_overlay_start_2:
0xd2: {  	(tag) =	ssettag $0x2  }
0xd3: {  	s0 =	rddreg [dreg:$0x0];
	s2 =	stileid.u32  }
0xd4: {  	s1 =	rddreg [dreg:$0x1];
	p0 =	sne.s32 s2, $0x0  }
0xd5: {  	s3 =	rddreg [dreg:$0x2];
	[bflag:$0x3] =	sbarrier.arrive $0xFFFF;
	s2 =	simm.s32 @!p0 $0x1C02  }
0xd6: {  	[timem:s3], [sflag:s2] =	dma.local @!p0 [hbm:s0], s1  }
0xd7: {  	s0 =	simm.s32 @!p0 $0x2  }
0xd8: {  	_ =	swait.ge @!p0 [sflag:s0], s1  }
0xd9: {  	s1 =	ssub.s32 @!p0 $0x0, s1;
	[sflag:s0] =	ssyncset.done @!p0 $0x0  }
0xda: {  	[sflag:s0] =	ssyncadd.s32 @!p0 s1  }
0xdb: {  	[bflag:$0x3] =	sbarrier.arrive $0xFFFF  }
0xdc: {  	_ =	shalt  }

// kernel: kernel.7.cloned.1.call-start
scs
__scs_entry_jumppad:
0x0: {  	(pc) =	sbr.rel $0x88, $3  }
0x1: {  	(tag) =	ssettag $0x0;
	lr =	simm.s32 $0x1  }
0x2: {  	[smem:$0x3F9D] =	sst lr;
	_ =	strace $0xD0000000  }
0x3: {  	_ = 	snop  }
0x4: {  	_ = 	snop  }
0x5: {  	_ = 	snop  }
0x6: {  	_ = 	snop  }
0x7: {  	_ = 	snop  }
__scs_overlays_trampoline_lowered:
0x8: {  	[smem:$0x3FAC] =	sst s0  }
0x9: {  	[smem:$0x3FAD] =	sst s1  }
0xa: {  	[smem:$0x3FAE] =	sst s2  }
0xb: {  	[smem:$0x3FAF] =	sst s3  }
0xc: {  	[smem:$0x3FB0] =	sst s4  }
0xd: {  	[smem:$0x3FB1] =	sst s5  }
0xe: {  	[smem:$0x3FB2] =	sst s6  }
0xf: {  	[smem:$0x3FB3] =	sst s7  }
0x10: {  	[smem:$0x3FB4] =	sst s8  }
0x11: {  	[smem:$0x3FB5] =	sst s9;
	s0 =	simm.s32 @!p0 $0x0  }
0x12: {  	s1 =	sld [smem:$0x3F9B];
	s0 =	simm.s32 @p0 $0x1  }
0x13: {  	[smem:$0x3FB6] =	sst s0;
	s0 =	simm.s32 @!p1 $0x0  }
0x14: {  	s2 =	sld [smem:$0x3F9A];
	s0 =	simm.s32 @p1 $0x1  }
0x15: {  	[smem:$0x3FB7] =	sst s0;
	s0 =	simm.s32 @!p2 $0x0  }
0x16: {  	s3 =	sld [smem:$0x3FDB];
	s0 =	simm.s32 @p2 $0x1  }
0x17: {  	s4 =	simm.s32 $0x1BF5;
	[smem:$0x3FB9] =	sst s0  }
0x18: {  	s0 =	sld [smem:$0x3F9C];
	_ =	swait.ge [sflag:s4], $0x0  }
0x19: {  	s7 =	sld [smem:$0x3F9D]  }
0x1a: {  	s8 =	sadd.s32 $0xFFFFE003, lr  }
0x1b: {  	s9 =	sadd.s32 $0xFFFFFEF7, lr;
	s5 =	simm.s32 $0xFFFFFFFF;
	p2 =	slt.u32 s8, $0xFFFFF086  }
0x1c: {  	p1 =	slt.u32 s9, $0xF7A;
	s5 =	simm.s32 @!p2 $0x0  }
0x1d: {  	s5 =	simm.s32 @p1 $0x1;
	p0 =	seq.s32 s7, s2  }
0x1e: {  	s7 =	smul.u32 @!p0 $0xF7A, s2;
	p2 =	seq.s32 @!p0 s5, $0x0  }
0x1f: {  	s9 =	smul.u32 $0xF7A, s1;
	s8 =	simm.s32 @!p0 $0x1BF5;
	p2 =	por !p2, p0  }
0x20: {  	[sflag:s8] =	ssyncset.s32 @!p0 $0xFFFFF086;
	s6 =	sadd.s32 @!p0 s3, s7;
	s7 =	simm.s32 @!p0 $0x108  }
0x21: {  	s3 =	sadd.s32 s3, s9;
	s6 =	sadd.s32 @!p0 $0x88, s6;
	s7 =	simm.s32 @p2 $0x1082  }
0x22: {  	[simem:s7], [sflag:s8] =	dma.local @!p0 [hbm:s6], $0xF7A  }
0x23: {  	s9 =	sor.u32 $0xD0000000, s2;
	s6 =	simm.s32 $0x108;
	_ =	swait.ge @!p0 [sflag:s8], $0x0  }
0x24: {  	s3 =	sadd.s32 $0x88, s3;
	s6 =	simm.s32 @!p1 $0x1082;
	[sflag:s4] =	ssyncset.s32 $0xFFFFF086  }
0x25: {  	[simem:s6], [sflag:s4] =	dma.local [hbm:s3], $0xF7A  }
0x26: {  	[smem:$0x3F9D] =	sst s1;
	(tag) =	ssettag s2;
	_ =	strace s9  }
0x27: {  	s1 =	sld [smem:$0x3FAD]  }
0x28: {  	s2 =	sld [smem:$0x3FAE]  }
0x29: {  	s4 =	sld [smem:$0x3FB0]  }
0x2a: {  	p0 =	seq.s32 s5, $0x0;
	s5 =	sld [smem:$0x3FB1]  }
0x2b: {  	s6 =	sld [smem:$0x3FB2]  }
0x2c: {  	s7 =	sld [smem:$0x3FB3]  }
0x2d: {  	s3 =	simm.s32 $0x108;
	s8 =	sld [smem:$0x3FB4]  }
0x2e: {  	s3 =	simm.s32 @!p0 $0x1082;
	s9 =	sld [smem:$0x3FB5]  }
0x2f: {  	lr =	sadd.s32 s0, s3;
	s0 =	sld [smem:$0x3FAC]  }
0x30: {  	s3 =	sld [smem:$0x3FAF]  }
0x31: {  	[smem:$0x3FB8] =	sst s10  }
0x32: {  	s10 =	sld [smem:$0x3FB6];
	_ =	sdelay $0x3  }
0x33: {  	p0 =	seq.s32 s10, $0x1;
	s10 =	sld [smem:$0x3FB8];
	_ =	sdelay $0x3  }
0x34: {  	[smem:$0x3FB8] =	sst s10  }
0x35: {  	s10 =	sld [smem:$0x3FB7];
	_ =	sdelay $0x3  }
0x36: {  	p1 =	seq.s32 s10, $0x1;
	s10 =	sld [smem:$0x3FB8];
	_ =	sdelay $0x3  }
0x37: {  	[smem:$0x3FB8] =	sst s10  }
0x38: {  	s10 =	sld [smem:$0x3FB9]  }
0x39: {  	_ = 	snop;
	(pc) =	sbr.ind lr, $3  }
0x3a: {  	_ = 	snop  }
0x3b: {  	_ = 	snop  }
0x3c: {  	p2 =	seq.s32 s10, $0x1;
	s10 =	sld [smem:$0x3FB8]  }
0x3d: {  	_ =	shalt  }
0x3e: {  	_ =	shalt  }
0x3f: {  	_ =	shalt  }
0x40: {  	_ =	shalt  }
0x41: {  	_ =	shalt  }
0x42: {  	_ =	shalt  }
0x43: {  	_ =	shalt  }
0x44: {  	_ =	shalt  }
0x45: {  	_ =	shalt  }
0x46: {  	_ =	shalt  }
0x47: {  	_ =	shalt  }
0x48: {  	_ =	shalt  }
0x49: {  	_ =	shalt  }
0x4a: {  	_ =	shalt  }
0x4b: {  	_ =	shalt  }
0x4c: {  	_ =	shalt  }
0x4d: {  	_ =	shalt  }
0x4e: {  	_ =	shalt  }
0x4f: {  	_ =	shalt  }
0x50: {  	_ =	shalt  }
0x51: {  	_ =	shalt  }
0x52: {  	_ =	shalt  }
0x53: {  	_ =	shalt  }
0x54: {  	_ =	shalt  }
0x55: {  	_ =	shalt  }
0x56: {  	_ =	shalt  }
0x57: {  	_ =	shalt  }
0x58: {  	_ =	shalt  }
0x59: {  	_ =	shalt  }
0x5a: {  	_ =	shalt  }
0x5b: {  	_ =	shalt  }
0x5c: {  	_ =	shalt  }
0x5d: {  	_ =	shalt  }
0x5e: {  	_ =	shalt  }
0x5f: {  	_ =	shalt  }
0x60: {  	_ =	shalt  }
0x61: {  	_ =	shalt  }
0x62: {  	_ =	shalt  }
0x63: {  	_ =	shalt  }
0x64: {  	_ =	shalt  }
0x65: {  	_ =	shalt  }
0x66: {  	_ =	shalt  }
0x67: {  	_ =	shalt  }
0x68: {  	_ =	shalt  }
0x69: {  	_ =	shalt  }
0x6a: {  	_ =	shalt  }
0x6b: {  	_ =	shalt  }
0x6c: {  	_ =	shalt  }
0x6d: {  	_ =	shalt  }
0x6e: {  	_ =	shalt  }
0x6f: {  	_ =	shalt  }
0x70: {  	_ =	shalt  }
0x71: {  	_ =	shalt  }
0x72: {  	_ =	shalt  }
0x73: {  	_ =	shalt  }
0x74: {  	_ =	shalt  }
0x75: {  	_ =	shalt  }
0x76: {  	_ =	shalt  }
0x77: {  	_ =	shalt  }
0x78: {  	_ =	shalt  }
0x79: {  	_ =	shalt  }
0x7a: {  	_ =	shalt  }
0x7b: {  	_ =	shalt  }
0x7c: {  	_ =	shalt  }
0x7d: {  	_ =	shalt  }
0x7e: {  	_ =	shalt  }
0x7f: {  	_ =	shalt  }
0x80: {  	_ =	shalt  }
0x81: {  	_ =	shalt  }
0x82: {  	_ =	shalt  }
0x83: {  	_ =	shalt  }
0x84: {  	_ =	shalt  }
0x85: {  	_ =	shalt  }
0x86: {  	_ =	shalt  }
0x87: {  	_ =	shalt  }
.Lfunc_end0:
.L_simem_size_0:
called_computation.1_lowered:
.L_overlay_start_0:
0x88: {  	s2 =	sld [smem:$0x3FD9]  }
0x89: {  	s3 =	sld [smem:$0x3FFE];
	_ =	sdelay $0x1  }
0x8a: {  	s1 =	srdreg.scid  }
0x8b: {  	s0 =	sand.u32 $0x1, s1  }
0x8c: {  	s17 =	sshll.u32 s0, $0xA;
	s2 =	sadd.s32 s3, s2  }
0x8d: {  	s2 =	sadd.s32 s2, s17  }
0x8e: {  	[smem:$0x3FC4] =	sst s2  }
0x8f: {  	_ = 	snop  }
0x90: {  	s2 =	sld [smem:$0x3FC9]  }
0x91: {  	s18 =	sld [smem:$0x3FD0];
	(tm) =	ssettm $0x1  }
0x92: {  	s4 =	sld [smem:$0x3FFB];
	_ =	sdelay $0x3  }
0x93: {  	_ =	strace s4  }
0x94: {  	s4 =	sld [smem:$0x3FFC];
	_ =	sdelay $0x3  }
0x95: {  	_ =	strace s4  }
0x96: {  	s4 =	sld [smem:$0x3FFD];
	_ =	sdelay $0x3  }
0x97: {  	_ =	strace s4  }
0x98: {  	_ =	strace $0x8FFFFFFF  }
0x99: {  	s19 =	sld [smem:$0x3FDB];
	_ =	sdelay $0x1  }
0x9a: {  	s5 =	simm.s32 $_scs_section_size  }
0x9b: {  	s6 =	simm.s32 $_size__tile_overlayer_lowered;
	s7 =	simm.s32 $_tile_overlayer_lowered  }
0x9c: {  	s22 =	simm.s32 $0x1BFF;
	s21 =	sshll.u32 s7, $0x1;
	s4 =	sadd.s32 s5, s19  }
0x9d: {  	s8 =	simm.s32 $0x0;
	s20 =	sshll.u32 s6, $0x1;
	s6 =	sadd.s32 s21, s4  }
0x9e: {  	[timem:s8], [sflag:s22] =	dma.local [hbm:s6], s20  }
0x9f: {  	_ =	swait.ge [sflag:s22], s20  }
0xa0: {  	s5 =	ssub.s32 $0x0, s20;
	[sflag:s22] =	ssyncset.done $0x0  }
0xa1: {  	[sflag:s22] =	ssyncadd.s32 s5;
	_ =	sdelay $0x1  }
0xa2: {  	s23 =	simm.s32 $0x1B8B  }
0xa3: {  	_ =	swait.ge [sflag:s23], $0x1  }
0xa4: {  	[sflag:s23] =	ssyncset.done $0x0  }
0xa5: {  	s25 =	simm.s32 $0x1B8E;
	s24 =	sld [smem:$0x3FFE];
	[sflag:s23] =	ssyncadd.s32 $0xFFFFFFFF  }
0xa6: {  	s26 =	simm.s32 $execute0_lowered;
	[smem:$0x3FD2] =	sst s25  }
0xa7: {  	s6 =	sshll.u32 s26, $0x1;
	_ =	strace $0x80000049;
	[dreg:$0x1] =	wrdreg $0xFFFFFFFF  }
0xa8: {  	s28 =	simm.s32 $_size_execute0_lowered;
	s4 =	sadd.s32 s4, s6;
	[dreg:$0x0] =	wrdreg $0x0  }
0xa9: {  	s6 =	sshll.u32 s28, $0x1;
	[dreg:$0x2] =	wrdreg s4  }
0xaa: {  	[dreg:$0x3] =	wrdreg s6  }
0xab: {  	[dreg:$0x4] =	wrdreg $0xC0  }
0xac: {  	_ =	task [dreg:s8], $0x5FFFF  }
0xad: {  	[dreg:$0x1] =	wrdreg $0xFFFFFFFF  }
0xae: {  	[dreg:$0x0] =	wrdreg $0x60  }
0xaf: {  	[dreg:$0x2] =	wrdreg s2  }
0xb0: {  	[dreg:$0x3] =	wrdreg s18  }
0xb1: {  	[dreg:$0x4] =	wrdreg s24  }
0xb2: {  	[dreg:$0x5] =	wrdreg $0x9  }
0xb3: {  	_ =	task.clear_ibuf [dreg:s8], $0x6FFFF;
	_ =	strace $0x90000049  }
0xb4: {  	s29 =	simm.s32 $0x9;
	_ =	strace $0x8000004B  }
0xb5: {  	_ =	swait.ge [sflag:s29], $0x1  }
0xb6: {  	[sflag:s29] =	ssyncadd.s32 $0xFFFFFFFF  }
0xb7: {  	_ =	strace $0x9000004B  }
0xb8: {  	_ =	sfence  }
0xb9: {  	s30 =	sld [smem:$0x0];
	_ =	sdelay $0x2  }
0xba: {  	s31 =	sshll.u32 s1, $0xD;
	s1 =	sshrl.u32 s1, $0x2  }
0xbb: {  	s3 =	sand.u32 $0x4000, s31;
	s1 =	sadd.s32 s1, s30  }
0xbc: {  	s0 =	sor.u32 s3, s0;
	s1 =	sshll.u32 s1, $0x11  }
0xbd: {  	s0 =	sor.u32 s1, s0  }
0xbe: {  	s0 =	sadd.s32 $0x8F2B, s0  }
0xbf: {  	[sflag:s0] =	ssyncadd.remote.s32 $0x1  }
0xc0: {  	_ =	sfence.sel $0xFFFF  }
0xc1: {  	[dreg:$0x0] =	wrdreg $0xFFFFFFFF;
	(pc) =	sbr.abs _section_cstart, $3  }
0xc2: {  	[dreg:$0x1] =	wrdreg $0xFFFFFFFF  }
0xc3: {  	_ =	task.clear_ibuf [dreg:s8], $0x2FFFF;
	_ =	strace $0x9FFFFFFF  }
0xc4: {  	(tm) =	ssettm $0x7FFFFFFF  }
0xc5: {  	_ =	shalt  }
tec
execute0_lowered:
.L_overlay_start_1:
0x0: {  	(tag) =	ssettag $0x1  }
0x1: {  	s1 =	rddreg [dreg:$0x0]  }
0x2: {  	s2 =	rddreg [dreg:$0x1]  }
0x3: {  	s0 =	rddreg [dreg:$0x2];
	s3 =	simm.s32 $0x0  }
0x4: {  	s4 =	srdreg.scid;
	s9 =	stileid.u32;
	s24 =	simm.s32 $0x18100  }
0x5: {  	s12 =	simm.s32 $0x3;
	s13 =	simm.s32 $0x80;
	s28 =	simm.s32 $0x3080  }
0x6: {  	s29 =	simm.s32 $0x4080;
	s30 =	simm.s32 $0x5080;
	s31 =	simm.s32 $0x6080  }
0x7: {  	s11 =	simm.s32 $0x9080;
	s14 =	simm.s32 $0xA080;
	s15 =	simm.s32 $0xB080  }
0x8: {  	s17 =	simm.s32 $0x1;
	s18 =	simm.s32 $0x2;
	s19 =	simm.s32 $0xC100  }
0x9: {  	[smem:$0x7FF] =	sst s3;
	s4 =	sand.u32 $0x1, s4;
	s5 =	sadd.s32 $0x10400, s0  }
.Ltmp0:
0xa: {  	s6 =	sadd.s32 $0x10600, s0;
	s7 =	ssub.s32 $0x2, s4;
	(pc) =	sbr.rel .LBB2_1-.Ltmp0, $4  }
0xb: {  	s26 =	sshll.u32 s9, $0x1;
	s9 =	sadd.s32 $0x200, s1;
	s8 =	sshrl.u32 s7, $0x1  }
0xc: {  	v2 =	vlaneseq.u32;
	s0 =	simm.s32 $0x7080;
	_ =	strace $0x8000004A;
	s25 =	ssub.s32 s7, s8  }
0xd: {  	vm0 =	vmmov $0xffff;
	v1 =	vshrl.u32 v2, $0x3;
	s7 =	sor.u32 s4, s26;
	s8 =	sadd.s32 $0x100, s1;
	s26 =	simm.s32 $0x2080  }
0xe: {  	v0 =	vand.u32 $0x7, v2;
	v2 =	vor.u32 $0x8, v2;
	v1 =	vmul.u32 $0x8, v1;
	s4 =	simm.s32 $0x8080;
	s10 =	smax.u32 s25, $0x1;
	s25 =	simm.s32 $0x1080  }
.LBB2_14:
0xf: {  	s21 =	sadd.s32 $0x140, s20  }
0x10: {  	s21 =	sshrl.u32 s21, $0x3  }
0x11: {  	s16 =	simm.s32 $0xC080;
	s21 =	sadd.s32 s2, s21  }
0x12: {  	[tilespmem:s16], [sflag:$0x3] =	stream.linear.gather [hbm4b:s21+s3], $0x40, $0x38;
	[tilespmem:$0x18180] =	vst v63  }
0x13: {  	_ =	swait.ge [sflag:s12], $0x40  }
0x14: {  	[sflag:s12] =	ssyncset.done $0x0  }
0x15: {  	[sflag:s12] =	ssyncadd.s32 $0xFFFFFFC0  }
0x16: {  	v3 =	vld [tilespmem:$0xC080];
	_ =	sdelay $0x4  }
0x17: {  	v4 =	vshrl.u32 v3, $0x3  }
0x18: {  	v4 =	vmul.u32 $0x30, v4  }
0x19: {  	v3 =	vand.u32 $0x7, v3  }
0x1a: {  	v3 =	vor.u32 v3, v4  }
0x1b: {  	v4 =	vperm.xlane v3, v0;
	_ =	sdelay $0x1  }
0x1c: {  	v4 =	vadd.s32 v1, v4;
	_ =	sdelay $0x3  }
0x1d: {  	v3 =	vperm.xlane v3, v2  }
0x1e: {  	[tilespmem:s19], [sflag:$0x2] =	stream.indirect_vreg.gather [hbm4b:s1+s3], $0x80, v4, vm0, $0xb8;
	[tilespmem:$0x18180] =	vst v63  }
0x1f: {  	s23 =	simm.s32 $0xC900;
	v3 =	vadd.s32 v1, v3  }
0x20: {  	[tilespmem:s23], [sflag:$0x2] =	stream.indirect_vreg.gather [hbm4b:s8+s3], $0x80, v4, vm0, $0xb8;
	[tilespmem:$0x18180] =	vst v63  }
0x21: {  	s21 =	simm.s32 $0xD100  }
0x22: {  	[tilespmem:s21], [sflag:$0x2] =	stream.indirect_vreg.gather [hbm4b:s9+s3], $0x80, v4, vm0, $0xb8;
	[tilespmem:$0x18180] =	vst v63  }
0x23: {  	s23 =	simm.s32 $0xD900  }
0x24: {  	[tilespmem:s23], [sflag:$0x2] =	stream.indirect_vreg.gather [hbm4b:s1+s3], $0x80, v3, vm0, $0xb8;
	[tilespmem:$0x18180] =	vst v63  }
0x25: {  	s21 =	simm.s32 $0xE100  }
0x26: {  	[tilespmem:s21], [sflag:$0x2] =	stream.indirect_vreg.gather [hbm4b:s8+s3], $0x80, v3, vm0, $0xb8;
	[tilespmem:$0x18180] =	vst v63  }
0x27: {  	s23 =	simm.s32 $0xE900  }
0x28: {  	[tilespmem:s23], [sflag:$0x2] =	stream.indirect_vreg.gather [hbm4b:s9+s3], $0x80, v3, vm0, $0xb8;
	[tilespmem:$0x18180] =	vst v63  }
0x29: {  	v3 =	vld [tilespmem:$0xC090];
	_ =	sdelay $0x4  }
0x2a: {  	v61 =	vshrl.u32 v3, $0x3  }
0x2b: {  	v4 =	vmul.u32 $0x30, v61  }
0x2c: {  	v3 =	vand.u32 $0x7, v3  }
0x2d: {  	v3 =	vor.u32 v3, v4  }
0x2e: {  	v4 =	vperm.xlane v3, v0;
	_ =	sdelay $0x1  }
0x2f: {  	v4 =	vadd.s32 v1, v4;
	_ =	sdelay $0x3  }
0x30: {  	s21 =	simm.s32 $0xF100;
	v3 =	vperm.xlane v3, v2  }
0x31: {  	[tilespmem:s21], [sflag:$0x2] =	stream.indirect_vreg.gather [hbm4b:s1+s3], $0x80, v4, vm0, $0xb8;
	[tilespmem:$0x18180] =	vst v63  }
0x32: {  	s23 =	simm.s32 $0xF900;
	v3 =	vadd.s32 v1, v3  }
0x33: {  	[tilespmem:s23], [sflag:$0x2] =	stream.indirect_vreg.gather [hbm4b:s8+s3], $0x80, v4, vm0, $0xb8;
	[tilespmem:$0x18180] =	vst v63  }
0x34: {  	s21 =	simm.s32 $0x10100  }
0x35: {  	[tilespmem:s21], [sflag:$0x2] =	stream.indirect_vreg.gather [hbm4b:s9+s3], $0x80, v4, vm0, $0xb8;
	[tilespmem:$0x18180] =	vst v63  }
0x36: {  	s23 =	simm.s32 $0x10900  }
0x37: {  	[tilespmem:s23], [sflag:$0x2] =	stream.indirect_vreg.gather [hbm4b:s1+s3], $0x80, v3, vm0, $0xb8;
	[tilespmem:$0x18180] =	vst v63  }
0x38: {  	s21 =	simm.s32 $0x11100  }
0x39: {  	[tilespmem:s21], [sflag:$0x2] =	stream.indirect_vreg.gather [hbm4b:s8+s3], $0x80, v3, vm0, $0xb8;
	[tilespmem:$0x18180] =	vst v63  }
0x3a: {  	s23 =	simm.s32 $0x11900  }
0x3b: {  	[tilespmem:s23], [sflag:$0x2] =	stream.indirect_vreg.gather [hbm4b:s9+s3], $0x80, v3, vm0, $0xb8;
	[tilespmem:$0x18180] =	vst v63  }
0x3c: {  	v3 =	vld [tilespmem:$0xC0A0];
	_ =	sdelay $0x4  }
0x3d: {  	v62 =	vshrl.u32 v3, $0x3  }
0x3e: {  	v4 =	vmul.u32 $0x30, v62  }
0x3f: {  	v3 =	vand.u32 $0x7, v3  }
0x40: {  	v3 =	vor.u32 v3, v4  }
0x41: {  	v4 =	vperm.xlane v3, v0;
	_ =	sdelay $0x1  }
0x42: {  	v4 =	vadd.s32 v1, v4;
	_ =	sdelay $0x3  }
0x43: {  	s21 =	simm.s32 $0x12100;
	v3 =	vperm.xlane v3, v2  }
0x44: {  	[tilespmem:s21], [sflag:$0x2] =	stream.indirect_vreg.gather [hbm4b:s1+s3], $0x80, v4, vm0, $0xb8;
	[tilespmem:$0x18180] =	vst v63  }
0x45: {  	s23 =	simm.s32 $0x12900;
	v3 =	vadd.s32 v1, v3  }
0x46: {  	[tilespmem:s23], [sflag:$0x2] =	stream.indirect_vreg.gather [hbm4b:s8+s3], $0x80, v4, vm0, $0xb8;
	[tilespmem:$0x18180] =	vst v63  }
0x47: {  	s21 =	simm.s32 $0x13100  }
0x48: {  	[tilespmem:s21], [sflag:$0x2] =	stream.indirect_vreg.gather [hbm4b:s9+s3], $0x80, v4, vm0, $0xb8;
	[tilespmem:$0x18180] =	vst v63  }
0x49: {  	s23 =	simm.s32 $0x13900  }
0x4a: {  	[tilespmem:s23], [sflag:$0x2] =	stream.indirect_vreg.gather [hbm4b:s1+s3], $0x80, v3, vm0, $0xb8;
	[tilespmem:$0x18180] =	vst v63  }
0x4b: {  	s21 =	simm.s32 $0x14100  }
0x4c: {  	[tilespmem:s21], [sflag:$0x2] =	stream.indirect_vreg.gather [hbm4b:s8+s3], $0x80, v3, vm0, $0xb8;
	[tilespmem:$0x18180] =	vst v63  }
0x4d: {  	s23 =	simm.s32 $0x14900  }
0x4e: {  	[tilespmem:s23], [sflag:$0x2] =	stream.indirect_vreg.gather [hbm4b:s9+s3], $0x80, v3, vm0, $0xb8;
	[tilespmem:$0x18180] =	vst v63  }
0x4f: {  	v3 =	vld [tilespmem:$0xC0B0];
	_ =	sdelay $0x4  }
0x50: {  	v63 =	vshrl.u32 v3, $0x3  }
0x51: {  	v4 =	vmul.u32 $0x30, v63  }
0x52: {  	v3 =	vand.u32 $0x7, v3  }
0x53: {  	v3 =	vor.u32 v3, v4  }
0x54: {  	v4 =	vperm.xlane v3, v0;
	_ =	sdelay $0x1  }
0x55: {  	v4 =	vadd.s32 v1, v4;
	_ =	sdelay $0x3  }
0x56: {  	s21 =	simm.s32 $0x15100;
	v3 =	vperm.xlane v3, v2  }
0x57: {  	[tilespmem:s21], [sflag:$0x2] =	stream.indirect_vreg.gather [hbm4b:s1+s3], $0x80, v4, vm0, $0xb8;
	[tilespmem:$0x18180] =	vst v63  }
0x58: {  	s23 =	simm.s32 $0x15900;
	v3 =	vadd.s32 v1, v3  }
0x59: {  	[tilespmem:s23], [sflag:$0x2] =	stream.indirect_vreg.gather [hbm4b:s8+s3], $0x80, v4, vm0, $0xb8;
	[tilespmem:$0x18180] =	vst v63  }
0x5a: {  	s21 =	simm.s32 $0x16100  }
0x5b: {  	[tilespmem:s21], [sflag:$0x2] =	stream.indirect_vreg.gather [hbm4b:s9+s3], $0x80, v4, vm0, $0xb8;
	[tilespmem:$0x18180] =	vst v63  }
0x5c: {  	s23 =	simm.s32 $0x16900  }
0x5d: {  	[tilespmem:s23], [sflag:$0x2] =	stream.indirect_vreg.gather [hbm4b:s1+s3], $0x80, v3, vm0, $0xb8;
	[tilespmem:$0x18180] =	vst v63  }
0x5e: {  	s21 =	simm.s32 $0x17100  }
0x5f: {  	[tilespmem:s21], [sflag:$0x2] =	stream.indirect_vreg.gather [hbm4b:s8+s3], $0x80, v3, vm0, $0xb8;
	[tilespmem:$0x18180] =	vst v63  }
0x60: {  	s23 =	simm.s32 $0x17900  }
0x61: {  	[tilespmem:s23], [sflag:$0x2] =	stream.indirect_vreg.gather [hbm4b:s9+s3], $0x80, v3, vm0, $0xb8;
	[tilespmem:$0x18180] =	vst v63  }
.LBB2_16:
0x62: {  	_ =	swait.ge [sflag:s17], $0xC000;
	s21 =	smul.u32 $0x300, s22  }
0x63: {  	[sflag:s17] =	ssyncset.done $0x0  }
0x64: {  	[sflag:s17] =	ssyncadd.s32 $0xFFFF4000;
	s21 =	sadd.s32 s6, s21  }
0x65: {  	[hbm4b:s21+s3] =	stream.linear.scatter [tilespmem:s13], [sflag:$0x3], $0xC000, $0x38;
	[tilespmem:$0x18180] =	vst v63  }
0x66: {  	_ =	swait.ge [sflag:s12], $0xC000  }
0x67: {  	s20 =	sadd.s32 @!p0 $0x140, s20;
	[sflag:s12] =	ssyncset.done $0x0  }
0x68: {  	s20 =	sshrl.u32 @!p0 s20, $0x3;
	s21 =	simm.s32 @!p0 $0x2;
	[sflag:s12] =	ssyncadd.s32 $0xFFFF4000  }
0x69: {  	s20 =	smul.u32 @!p0 $0x300, s20;
	_ =	swait.ge @!p0 [sflag:s21], $0xC000  }
0x6a: {  	s22 =	simm.s32 @!p0 $0xC100;
	[sflag:s21] =	ssyncset.done @!p0 $0x0  }
0x6b: {  	s20 =	sadd.s32 @!p0 s6, s20;
	[sflag:s21] =	ssyncadd.s32 @!p0 $0xFFFF4000;
	s21 =	simm.s32 @!p0 $0x0  }
0x6c: {  	[hbm4b:s20+s21] =	stream.linear.scatter @!p0 [tilespmem:s22], [sflag:$0x3], $0xC000, $0x38;
	[tilespmem:$0x18180] =	vst v63  }
0x6d: {  	s20 =	simm.s32 @!p0 $0x3  }
0x6e: {  	_ =	swait.ge @!p0 [sflag:s20], $0xC000  }
0x6f: {  	[sflag:s20] =	ssyncset.done @!p0 $0x0  }
0x70: {  	[sflag:s20] =	ssyncadd.s32 @!p0 $0xFFFF4000  }
.LBB2_17:
0x71: {  	s10 =	sadd.s32 $0xFFFFFFFF, s10  }
0x72: {  	p0 =	sne.s32 s10, $0x0  }
.Ltmp1:
0x73: {  	_ = 	snop;
	(pc) =	sbr.rel @!p0 .LBB2_18-.Ltmp1, $1  }
0x74: {  	_ =	sdelay $0x3  }
.LBB2_1:
0x75: {  	[tilespmem:s24], [sflag:$0x3] =	stream.linear.gather [hbm4b:s5+s3], $0x80, $0x38;
	[tilespmem:$0x18180] =	vst v63  }
0x76: {  	_ =	swait.ge [sflag:s12], $0x80  }
0x77: {  	[sflag:s12] =	ssyncset.done $0x0  }
0x78: {  	[sflag:s12] =	ssyncadd.s32 $0xFFFFFF80  }
0x79: {  	v3 =	vld [tilespmem:$0x18100];
	_ =	sdelay $0x4  }
0x7a: {  	(xrf0) =	vmax.scan.msk.f32 $0xffff, v3;
	_ =	sdelay $0x5  }
0x7b: {  	v3, _, _ =	vpop (xrf0)  }
0x7c: {  	(v2sf) =	vpush v3, $0xF;
	_ =	sdelay $0xe  }
0x7d: {  	s20 =	spop (v2sf)  }
0x7e: {  	s21 =	scvt.f32.s32 s20;
	_ =	sdelay $0x1  }
0x7f: {  	p0 =	slt.s32 s21, $0x1  }
.Ltmp2:
0x80: {  	_ = 	snop;
	(pc) =	sbr.rel @p0 .LBB2_17-.Ltmp2, $1  }
0x81: {  	_ =	sdelay $0x3  }
0x82: {  	s20 =	smul.u32 s7, s21;
	_ =	sdelay $0x1  }
0x83: {  	s20 =	sshll.u32 s20, $0x6  }
0x84: {  	s22 =	sshrl.u32 s20, $0x3  }
0x85: {  	s23 =	sadd.s32 s2, s22  }
0x86: {  	[tilespmem:s3], [sflag:$0x3] =	stream.linear.gather [hbm4b:s23+s3], $0x40, $0x38;
	[tilespmem:$0x18180] =	vst v63  }
0x87: {  	_ =	swait.ge [sflag:s12], $0x40  }
0x88: {  	[sflag:s12] =	ssyncset.done $0x0  }
0x89: {  	[sflag:s12] =	ssyncadd.s32 $0xFFFFFFC0  }
0x8a: {  	v3 =	vld [tilespmem:$0x0];
	_ =	sdelay $0x4  }
0x8b: {  	v4 =	vshrl.u32 v3, $0x3  }
0x8c: {  	v4 =	vmul.u32 $0x30, v4  }
0x8d: {  	v3 =	vand.u32 $0x7, v3  }
0x8e: {  	v3 =	vor.u32 v3, v4  }
0x8f: {  	v4 =	vperm.xlane v3, v0;
	_ =	sdelay $0x1  }
0x90: {  	v4 =	vadd.s32 v1, v4;
	_ =	sdelay $0x3  }
0x91: {  	v3 =	vperm.xlane v3, v2  }
0x92: {  	[tilespmem:s13], [sflag:$0x1] =	stream.indirect_vreg.gather [hbm4b:s1+s3], $0x80, v4, vm0, $0xb8;
	[tilespmem:$0x18180] =	vst v63  }
0x93: {  	s16 =	simm.s32 $0x880;
	v3 =	vadd.s32 v1, v3  }
0x94: {  	[tilespmem:s16], [sflag:$0x1] =	stream.indirect_vreg.gather [hbm4b:s8+s3], $0x80, v4, vm0, $0xb8;
	[tilespmem:$0x18180] =	vst v63  }
0x95: {  	_ = 	snop  }
0x96: {  	[tilespmem:s25], [sflag:$0x1] =	stream.indirect_vreg.gather [hbm4b:s9+s3], $0x80, v4, vm0, $0xb8;
	[tilespmem:$0x18180] =	vst v63  }
0x97: {  	s16 =	simm.s32 $0x1880  }
0x98: {  	[tilespmem:s16], [sflag:$0x1] =	stream.indirect_vreg.gather [hbm4b:s1+s3], $0x80, v3, vm0, $0xb8;
	[tilespmem:$0x18180] =	vst v63  }
0x99: {  	_ = 	snop  }
0x9a: {  	[tilespmem:s26], [sflag:$0x1] =	stream.indirect_vreg.gather [hbm4b:s8+s3], $0x80, v3, vm0, $0xb8;
	[tilespmem:$0x18180] =	vst v63  }
0x9b: {  	s16 =	simm.s32 $0x2880  }
0x9c: {  	[tilespmem:s16], [sflag:$0x1] =	stream.indirect_vreg.gather [hbm4b:s9+s3], $0x80, v3, vm0, $0xb8;
	[tilespmem:$0x18180] =	vst v63  }
0x9d: {  	v3 =	vld [tilespmem:$0x10];
	_ =	sdelay $0x4  }
0x9e: {  	v61 =	vshrl.u32 v3, $0x3  }
0x9f: {  	v4 =	vmul.u32 $0x30, v61  }
0xa0: {  	v3 =	vand.u32 $0x7, v3  }
0xa1: {  	v3 =	vor.u32 v3, v4  }
0xa2: {  	v4 =	vperm.xlane v3, v0;
	_ =	sdelay $0x1  }
0xa3: {  	v4 =	vadd.s32 v1, v4;
	_ =	sdelay $0x3  }
0xa4: {  	v3 =	vperm.xlane v3, v2  }
0xa5: {  	[tilespmem:s28], [sflag:$0x1] =	stream.indirect_vreg.gather [hbm4b:s1+s3], $0x80, v4, vm0, $0xb8;
	[tilespmem:$0x18180] =	vst v63  }
0xa6: {  	s16 =	simm.s32 $0x3880;
	v3 =	vadd.s32 v1, v3  }
0xa7: {  	[tilespmem:s16], [sflag:$0x1] =	stream.indirect_vreg.gather [hbm4b:s8+s3], $0x80, v4, vm0, $0xb8;
	[tilespmem:$0x18180] =	vst v63  }
0xa8: {  	_ = 	snop  }
0xa9: {  	[tilespmem:s29], [sflag:$0x1] =	stream.indirect_vreg.gather [hbm4b:s9+s3], $0x80, v4, vm0, $0xb8;
	[tilespmem:$0x18180] =	vst v63  }
0xaa: {  	s16 =	simm.s32 $0x4880  }
0xab: {  	[tilespmem:s16], [sflag:$0x1] =	stream.indirect_vreg.gather [hbm4b:s1+s3], $0x80, v3, vm0, $0xb8;
	[tilespmem:$0x18180] =	vst v63  }
0xac: {  	_ = 	snop  }
0xad: {  	[tilespmem:s30], [sflag:$0x1] =	stream.indirect_vreg.gather [hbm4b:s8+s3], $0x80, v3, vm0, $0xb8;
	[tilespmem:$0x18180] =	vst v63  }
0xae: {  	s16 =	simm.s32 $0x5880  }
0xaf: {  	[tilespmem:s16], [sflag:$0x1] =	stream.indirect_vreg.gather [hbm4b:s9+s3], $0x80, v3, vm0, $0xb8;
	[tilespmem:$0x18180] =	vst v63  }
0xb0: {  	v3 =	vld [tilespmem:$0x20];
	_ =	sdelay $0x4  }
0xb1: {  	v62 =	vshrl.u32 v3, $0x3  }
0xb2: {  	v4 =	vmul.u32 $0x30, v62  }
0xb3: {  	v3 =	vand.u32 $0x7, v3  }
0xb4: {  	v3 =	vor.u32 v3, v4  }
0xb5: {  	v4 =	vperm.xlane v3, v0;
	_ =	sdelay $0x1  }
0xb6: {  	v4 =	vadd.s32 v1, v4;
	_ =	sdelay $0x3  }
0xb7: {  	v3 =	vperm.xlane v3, v2  }
0xb8: {  	[tilespmem:s31], [sflag:$0x1] =	stream.indirect_vreg.gather [hbm4b:s1+s3], $0x80, v4, vm0, $0xb8;
	[tilespmem:$0x18180] =	vst v63  }
0xb9: {  	s16 =	simm.s32 $0x6880;
	v3 =	vadd.s32 v1, v3  }
0xba: {  	[tilespmem:s16], [sflag:$0x1] =	stream.indirect_vreg.gather [hbm4b:s8+s3], $0x80, v4, vm0, $0xb8;
	[tilespmem:$0x18180] =	vst v63  }
0xbb: {  	_ = 	snop  }
0xbc: {  	[tilespmem:s0], [sflag:$0x1] =	stream.indirect_vreg.gather [hbm4b:s9+s3], $0x80, v4, vm0, $0xb8;
	[tilespmem:$0x18180] =	vst v63  }
0xbd: {  	s16 =	simm.s32 $0x7880  }
0xbe: {  	[tilespmem:s16], [sflag:$0x1] =	stream.indirect_vreg.gather [hbm4b:s1+s3], $0x80, v3, vm0, $0xb8;
	[tilespmem:$0x18180] =	vst v63  }
0xbf: {  	_ = 	snop  }
0xc0: {  	[tilespmem:s4], [sflag:$0x1] =	stream.indirect_vreg.gather [hbm4b:s8+s3], $0x80, v3, vm0, $0xb8;
	[tilespmem:$0x18180] =	vst v63  }
0xc1: {  	s16 =	simm.s32 $0x8880  }
0xc2: {  	[tilespmem:s16], [sflag:$0x1] =	stream.indirect_vreg.gather [hbm4b:s9+s3], $0x80, v3, vm0, $0xb8;
	[tilespmem:$0x18180] =	vst v63  }
0xc3: {  	v3 =	vld [tilespmem:$0x30];
	_ =	sdelay $0x4  }
0xc4: {  	v63 =	vshrl.u32 v3, $0x3  }
0xc5: {  	v4 =	vmul.u32 $0x30, v63  }
0xc6: {  	v3 =	vand.u32 $0x7, v3  }
0xc7: {  	v3 =	vor.u32 v3, v4  }
0xc8: {  	v4 =	vperm.xlane v3, v0;
	_ =	sdelay $0x1  }
0xc9: {  	v4 =	vadd.s32 v1, v4;
	_ =	sdelay $0x3  }
0xca: {  	v3 =	vperm.xlane v3, v2  }
0xcb: {  	[tilespmem:s11], [sflag:$0x1] =	stream.indirect_vreg.gather [hbm4b:s1+s3], $0x80, v4, vm0, $0xb8;
	[tilespmem:$0x18180] =	vst v63  }
0xcc: {  	s16 =	simm.s32 $0x9880;
	v3 =	vadd.s32 v1, v3  }
0xcd: {  	[tilespmem:s16], [sflag:$0x1] =	stream.indirect_vreg.gather [hbm4b:s8+s3], $0x80, v4, vm0, $0xb8;
	[tilespmem:$0x18180] =	vst v63  }
0xce: {  	_ = 	snop  }
0xcf: {  	[tilespmem:s14], [sflag:$0x1] =	stream.indirect_vreg.gather [hbm4b:s9+s3], $0x80, v4, vm0, $0xb8;
	[tilespmem:$0x18180] =	vst v63  }
0xd0: {  	p1 =	seq.s32 s21, $0x1;
	s16 =	simm.s32 $0xA880  }
0xd1: {  	[tilespmem:s16], [sflag:$0x1] =	stream.indirect_vreg.gather [hbm4b:s1+s3], $0x80, v3, vm0, $0xb8;
	[tilespmem:$0x18180] =	vst v63  }
.Ltmp3:
0xd2: {  	_ = 	snop;
	(pc) =	sbr.rel @p1 .LBB2_4-.Ltmp3, $4  }
0xd3: {  	_ = 	snop  }
0xd4: {  	[tilespmem:s15], [sflag:$0x1] =	stream.indirect_vreg.gather [hbm4b:s8+s3], $0x80, v3, vm0, $0xb8;
	[tilespmem:$0x18180] =	vst v63  }
0xd5: {  	s16 =	simm.s32 $0xB880  }
0xd6: {  	[tilespmem:s16], [sflag:$0x1] =	stream.indirect_vreg.gather [hbm4b:s9+s3], $0x80, v3, vm0, $0xb8;
	[tilespmem:$0x18180] =	vst v63  }
0xd7: {  	s23 =	sadd.s32 $0x40, s20  }
0xd8: {  	s23 =	sshrl.u32 s23, $0x3  }
0xd9: {  	s16 =	simm.s32 $0xC080;
	s23 =	sadd.s32 s2, s23  }
0xda: {  	[tilespmem:s16], [sflag:$0x3] =	stream.linear.gather [hbm4b:s23+s3], $0x40, $0x38;
	[tilespmem:$0x18180] =	vst v63  }
0xdb: {  	_ =	swait.ge [sflag:s12], $0x40  }
0xdc: {  	[sflag:s12] =	ssyncset.done $0x0  }
0xdd: {  	[sflag:s12] =	ssyncadd.s32 $0xFFFFFFC0  }
0xde: {  	v3 =	vld [tilespmem:$0xC080];
	_ =	sdelay $0x4  }
0xdf: {  	v4 =	vshrl.u32 v3, $0x3  }
0xe0: {  	v4 =	vmul.u32 $0x30, v4  }
0xe1: {  	v3 =	vand.u32 $0x7, v3  }
0xe2: {  	v3 =	vor.u32 v3, v4  }
0xe3: {  	v4 =	vperm.xlane v3, v0;
	_ =	sdelay $0x1  }
0xe4: {  	v4 =	vadd.s32 v1, v4;
	_ =	sdelay $0x3  }
0xe5: {  	v3 =	vperm.xlane v3, v2  }
0xe6: {  	[tilespmem:s19], [sflag:$0x2] =	stream.indirect_vreg.gather [hbm4b:s1+s3], $0x80, v4, vm0, $0xb8;
	[tilespmem:$0x18180] =	vst v63  }
0xe7: {  	s23 =	simm.s32 $0xC900;
	v3 =	vadd.s32 v1, v3  }
0xe8: {  	[tilespmem:s23], [sflag:$0x2] =	stream.indirect_vreg.gather [hbm4b:s8+s3], $0x80, v4, vm0, $0xb8;
	[tilespmem:$0x18180] =	vst v63  }
0xe9: {  	s23 =	simm.s32 $0xD100  }
0xea: {  	[tilespmem:s23], [sflag:$0x2] =	stream.indirect_vreg.gather [hbm4b:s9+s3], $0x80, v4, vm0, $0xb8;
	[tilespmem:$0x18180] =	vst v63  }
0xeb: {  	s23 =	simm.s32 $0xD900  }
0xec: {  	[tilespmem:s23], [sflag:$0x2] =	stream.indirect_vreg.gather [hbm4b:s1+s3], $0x80, v3, vm0, $0xb8;
	[tilespmem:$0x18180] =	vst v63  }
0xed: {  	s23 =	simm.s32 $0xE100  }
0xee: {  	[tilespmem:s23], [sflag:$0x2] =	stream.indirect_vreg.gather [hbm4b:s8+s3], $0x80, v3, vm0, $0xb8;
	[tilespmem:$0x18180] =	vst v63  }
0xef: {  	s23 =	simm.s32 $0xE900  }
0xf0: {  	[tilespmem:s23], [sflag:$0x2] =	stream.indirect_vreg.gather [hbm4b:s9+s3], $0x80, v3, vm0, $0xb8;
	[tilespmem:$0x18180] =	vst v63  }
0xf1: {  	v3 =	vld [tilespmem:$0xC090];
	_ =	sdelay $0x4  }
0xf2: {  	v61 =	vshrl.u32 v3, $0x3  }
0xf3: {  	v4 =	vmul.u32 $0x30, v61  }
0xf4: {  	v3 =	vand.u32 $0x7, v3  }
0xf5: {  	v3 =	vor.u32 v3, v4  }
0xf6: {  	v4 =	vperm.xlane v3, v0;
	_ =	sdelay $0x1  }
0xf7: {  	v4 =	vadd.s32 v1, v4;
	_ =	sdelay $0x3  }
0xf8: {  	s23 =	simm.s32 $0xF100;
	v3 =	vperm.xlane v3, v2  }
0xf9: {  	[tilespmem:s23], [sflag:$0x2] =	stream.indirect_vreg.gather [hbm4b:s1+s3], $0x80, v4, vm0, $0xb8;
	[tilespmem:$0x18180] =	vst v63  }
0xfa: {  	v3 =	vadd.s32 v1, v3;
	s23 =	simm.s32 $0xF900  }
0xfb: {  	[tilespmem:s23], [sflag:$0x2] =	stream.indirect_vreg.gather [hbm4b:s8+s3], $0x80, v4, vm0, $0xb8;
	[tilespmem:$0x18180] =	vst v63  }
0xfc: {  	s23 =	simm.s32 $0x10100  }
0xfd: {  	[tilespmem:s23], [sflag:$0x2] =	stream.indirect_vreg.gather [hbm4b:s9+s3], $0x80, v4, vm0, $0xb8;
	[tilespmem:$0x18180] =	vst v63  }
0xfe: {  	s23 =	simm.s32 $0x10900  }
0xff: {  	[tilespmem:s23], [sflag:$0x2] =	stream.indirect_vreg.gather [hbm4b:s1+s3], $0x80, v3, vm0, $0xb8;
	[tilespmem:$0x18180] =	vst v63  }
0x100: {  	s23 =	simm.s32 $0x11100  }
0x101: {  	[tilespmem:s23], [sflag:$0x2] =	stream.indirect_vreg.gather [hbm4b:s8+s3], $0x80, v3, vm0, $0xb8;
	[tilespmem:$0x18180] =	vst v63  }
0x102: {  	s23 =	simm.s32 $0x11900  }
0x103: {  	[tilespmem:s23], [sflag:$0x2] =	stream.indirect_vreg.gather [hbm4b:s9+s3], $0x80, v3, vm0, $0xb8;
	[tilespmem:$0x18180] =	vst v63  }
0x104: {  	v3 =	vld [tilespmem:$0xC0A0];
	_ =	sdelay $0x4  }
0x105: {  	v62 =	vshrl.u32 v3, $0x3  }
0x106: {  	v4 =	vmul.u32 $0x30, v62  }
0x107: {  	v3 =	vand.u32 $0x7, v3  }
0x108: {  	v3 =	vor.u32 v3, v4  }
0x109: {  	v4 =	vperm.xlane v3, v0;
	_ =	sdelay $0x1  }
0x10a: {  	v4 =	vadd.s32 v1, v4;
	_ =	sdelay $0x3  }
0x10b: {  	s23 =	simm.s32 $0x12100;
	v3 =	vperm.xlane v3, v2  }
0x10c: {  	[tilespmem:s23], [sflag:$0x2] =	stream.indirect_vreg.gather [hbm4b:s1+s3], $0x80, v4, vm0, $0xb8;
	[tilespmem:$0x18180] =	vst v63  }
0x10d: {  	v3 =	vadd.s32 v1, v3;
	s23 =	simm.s32 $0x12900  }
0x10e: {  	[tilespmem:s23], [sflag:$0x2] =	stream.indirect_vreg.gather [hbm4b:s8+s3], $0x80, v4, vm0, $0xb8;
	[tilespmem:$0x18180] =	vst v63  }
0x10f: {  	s23 =	simm.s32 $0x13100  }
0x110: {  	[tilespmem:s23], [sflag:$0x2] =	stream.indirect_vreg.gather [hbm4b:s9+s3], $0x80, v4, vm0, $0xb8;
	[tilespmem:$0x18180] =	vst v63  }
0x111: {  	s23 =	simm.s32 $0x13900  }
0x112: {  	[tilespmem:s23], [sflag:$0x2] =	stream.indirect_vreg.gather [hbm4b:s1+s3], $0x80, v3, vm0, $0xb8;
	[tilespmem:$0x18180] =	vst v63  }
0x113: {  	s23 =	simm.s32 $0x14100  }
0x114: {  	[tilespmem:s23], [sflag:$0x2] =	stream.indirect_vreg.gather [hbm4b:s8+s3], $0x80, v3, vm0, $0xb8;
	[tilespmem:$0x18180] =	vst v63  }
0x115: {  	s23 =	simm.s32 $0x14900  }
0x116: {  	[tilespmem:s23], [sflag:$0x2] =	stream.indirect_vreg.gather [hbm4b:s9+s3], $0x80, v3, vm0, $0xb8;
	[tilespmem:$0x18180] =	vst v63  }
0x117: {  	v3 =	vld [tilespmem:$0xC0B0];
	_ =	sdelay $0x4  }
0x118: {  	v63 =	vshrl.u32 v3, $0x3  }
0x119: {  	v4 =	vmul.u32 $0x30, v63  }
0x11a: {  	v3 =	vand.u32 $0x7, v3  }
0x11b: {  	v3 =	vor.u32 v3, v4  }
0x11c: {  	v4 =	vperm.xlane v3, v0;
	_ =	sdelay $0x1  }
0x11d: {  	v4 =	vadd.s32 v1, v4;
	_ =	sdelay $0x3  }
0x11e: {  	s23 =	simm.s32 $0x15100;
	v3 =	vperm.xlane v3, v2  }
0x11f: {  	[tilespmem:s23], [sflag:$0x2] =	stream.indirect_vreg.gather [hbm4b:s1+s3], $0x80, v4, vm0, $0xb8;
	[tilespmem:$0x18180] =	vst v63  }
0x120: {  	v3 =	vadd.s32 v1, v3;
	s23 =	simm.s32 $0x15900  }
0x121: {  	[tilespmem:s23], [sflag:$0x2] =	stream.indirect_vreg.gather [hbm4b:s8+s3], $0x80, v4, vm0, $0xb8;
	[tilespmem:$0x18180] =	vst v63  }
0x122: {  	s23 =	simm.s32 $0x16100  }
0x123: {  	[tilespmem:s23], [sflag:$0x2] =	stream.indirect_vreg.gather [hbm4b:s9+s3], $0x80, v4, vm0, $0xb8;
	[tilespmem:$0x18180] =	vst v63  }
0x124: {  	s23 =	simm.s32 $0x16900  }
0x125: {  	[tilespmem:s23], [sflag:$0x2] =	stream.indirect_vreg.gather [hbm4b:s1+s3], $0x80, v3, vm0, $0xb8;
	[tilespmem:$0x18180] =	vst v63  }
0x126: {  	s23 =	simm.s32 $0x17100  }
0x127: {  	[tilespmem:s23], [sflag:$0x2] =	stream.indirect_vreg.gather [hbm4b:s8+s3], $0x80, v3, vm0, $0xb8;
	[tilespmem:$0x18180] =	vst v63  }
0x128: {  	s23 =	simm.s32 $0x17900  }
0x129: {  	[tilespmem:s23], [sflag:$0x2] =	stream.indirect_vreg.gather [hbm4b:s9+s3], $0x80, v3, vm0, $0xb8;
	[tilespmem:$0x18180] =	vst v63  }
.LBB2_4:
0x12a: {  	_ =	swait.ge [sflag:s17], $0xC000;
	s22 =	smul.u32 $0x300, s22  }
0x12b: {  	p0 =	slt.u32 s21, $0x3;
	[sflag:s17] =	ssyncset.done $0x0  }
.Ltmp4:
0x12c: {  	[sflag:s17] =	ssyncadd.s32 $0xFFFF4000;
	s22 =	sadd.s32 s6, s22;
	(pc) =	sbr.rel @p0 .LBB2_6-.Ltmp4, $4  }
0x12d: {  	[hbm4b:s22+s3] =	stream.linear.scatter [tilespmem:s13], [sflag:$0x3], $0xC000, $0x38;
	[tilespmem:$0x18180] =	vst v63  }
0x12e: {  	_ =	swait.ge [sflag:s12], $0xC000  }
0x12f: {  	s23 =	sadd.s32 $0x80, s20;
	[sflag:s12] =	ssyncset.done $0x0  }
0x130: {  	s22 =	sshrl.u32 s23, $0x3;
	[sflag:s12] =	ssyncadd.s32 $0xFFFF4000  }
0x131: {  	s23 =	sadd.s32 s2, s22  }
0x132: {  	[tilespmem:s3], [sflag:$0x3] =	stream.linear.gather [hbm4b:s23+s3], $0x40, $0x38;
	[tilespmem:$0x18180] =	vst v63  }
0x133: {  	_ =	swait.ge [sflag:s12], $0x40  }
0x134: {  	[sflag:s12] =	ssyncset.done $0x0  }
0x135: {  	[sflag:s12] =	ssyncadd.s32 $0xFFFFFFC0  }
0x136: {  	v3 =	vld [tilespmem:$0x0];
	_ =	sdelay $0x4  }
0x137: {  	v4 =	vshrl.u32 v3, $0x3  }
0x138: {  	v4 =	vmul.u32 $0x30, v4  }
0x139: {  	v3 =	vand.u32 $0x7, v3  }
0x13a: {  	v3 =	vor.u32 v3, v4  }
0x13b: {  	v4 =	vperm.xlane v3, v0;
	_ =	sdelay $0x1  }
0x13c: {  	v4 =	vadd.s32 v1, v4;
	_ =	sdelay $0x3  }
0x13d: {  	v3 =	vperm.xlane v3, v2  }
0x13e: {  	[tilespmem:s13], [sflag:$0x1] =	stream.indirect_vreg.gather [hbm4b:s1+s3], $0x80, v4, vm0, $0xb8;
	[tilespmem:$0x18180] =	vst v63  }
0x13f: {  	s16 =	simm.s32 $0x880;
	v3 =	vadd.s32 v1, v3  }
0x140: {  	[tilespmem:s16], [sflag:$0x1] =	stream.indirect_vreg.gather [hbm4b:s8+s3], $0x80, v4, vm0, $0xb8;
	[tilespmem:$0x18180] =	vst v63  }
0x141: {  	_ = 	snop  }
0x142: {  	[tilespmem:s25], [sflag:$0x1] =	stream.indirect_vreg.gather [hbm4b:s9+s3], $0x80, v4, vm0, $0xb8;
	[tilespmem:$0x18180] =	vst v63  }
0x143: {  	s16 =	simm.s32 $0x1880  }
0x144: {  	[tilespmem:s16], [sflag:$0x1] =	stream.indirect_vreg.gather [hbm4b:s1+s3], $0x80, v3, vm0, $0xb8;
	[tilespmem:$0x18180] =	vst v63  }
0x145: {  	_ = 	snop  }
0x146: {  	[tilespmem:s26], [sflag:$0x1] =	stream.indirect_vreg.gather [hbm4b:s8+s3], $0x80, v3, vm0, $0xb8;
	[tilespmem:$0x18180] =	vst v63  }
0x147: {  	s16 =	simm.s32 $0x2880  }
0x148: {  	[tilespmem:s16], [sflag:$0x1] =	stream.indirect_vreg.gather [hbm4b:s9+s3], $0x80, v3, vm0, $0xb8;
	[tilespmem:$0x18180] =	vst v63  }
0x149: {  	v3 =	vld [tilespmem:$0x10];
	_ =	sdelay $0x4  }
0x14a: {  	v61 =	vshrl.u32 v3, $0x3  }
0x14b: {  	v4 =	vmul.u32 $0x30, v61  }
0x14c: {  	v3 =	vand.u32 $0x7, v3  }
0x14d: {  	v3 =	vor.u32 v3, v4  }
0x14e: {  	v4 =	vperm.xlane v3, v0;
	_ =	sdelay $0x1  }
0x14f: {  	v4 =	vadd.s32 v1, v4;
	_ =	sdelay $0x3  }
0x150: {  	v3 =	vperm.xlane v3, v2  }
0x151: {  	[tilespmem:s28], [sflag:$0x1] =	stream.indirect_vreg.gather [hbm4b:s1+s3], $0x80, v4, vm0, $0xb8;
	[tilespmem:$0x18180] =	vst v63  }
0x152: {  	s16 =	simm.s32 $0x3880;
	v3 =	vadd.s32 v1, v3  }
0x153: {  	[tilespmem:s16], [sflag:$0x1] =	stream.indirect_vreg.gather [hbm4b:s8+s3], $0x80, v4, vm0, $0xb8;
	[tilespmem:$0x18180] =	vst v63  }
0x154: {  	_ = 	snop  }
0x155: {  	[tilespmem:s29], [sflag:$0x1] =	stream.indirect_vreg.gather [hbm4b:s9+s3], $0x80, v4, vm0, $0xb8;
	[tilespmem:$0x18180] =	vst v63  }
0x156: {  	s16 =	simm.s32 $0x4880  }
0x157: {  	[tilespmem:s16], [sflag:$0x1] =	stream.indirect_vreg.gather [hbm4b:s1+s3], $0x80, v3, vm0, $0xb8;
	[tilespmem:$0x18180] =	vst v63  }
0x158: {  	_ = 	snop  }
0x159: {  	[tilespmem:s30], [sflag:$0x1] =	stream.indirect_vreg.gather [hbm4b:s8+s3], $0x80, v3, vm0, $0xb8;
	[tilespmem:$0x18180] =	vst v63  }
0x15a: {  	s16 =	simm.s32 $0x5880  }
0x15b: {  	[tilespmem:s16], [sflag:$0x1] =	stream.indirect_vreg.gather [hbm4b:s9+s3], $0x80, v3, vm0, $0xb8;
	[tilespmem:$0x18180] =	vst v63  }
0x15c: {  	v3 =	vld [tilespmem:$0x20];
	_ =	sdelay $0x4  }
0x15d: {  	v62 =	vshrl.u32 v3, $0x3  }
0x15e: {  	v4 =	vmul.u32 $0x30, v62  }
0x15f: {  	v3 =	vand.u32 $0x7, v3  }
0x160: {  	v3 =	vor.u32 v3, v4  }
0x161: {  	v4 =	vperm.xlane v3, v0;
	_ =	sdelay $0x1  }
0x162: {  	v4 =	vadd.s32 v1, v4;
	_ =	sdelay $0x3  }
0x163: {  	v3 =	vperm.xlane v3, v2  }
0x164: {  	[tilespmem:s31], [sflag:$0x1] =	stream.indirect_vreg.gather [hbm4b:s1+s3], $0x80, v4, vm0, $0xb8;
	[tilespmem:$0x18180] =	vst v63  }
0x165: {  	s16 =	simm.s32 $0x6880;
	v3 =	vadd.s32 v1, v3  }
0x166: {  	[tilespmem:s16], [sflag:$0x1] =	stream.indirect_vreg.gather [hbm4b:s8+s3], $0x80, v4, vm0, $0xb8;
	[tilespmem:$0x18180] =	vst v63  }
0x167: {  	_ = 	snop  }
0x168: {  	[tilespmem:s0], [sflag:$0x1] =	stream.indirect_vreg.gather [hbm4b:s9+s3], $0x80, v4, vm0, $0xb8;
	[tilespmem:$0x18180] =	vst v63  }
0x169: {  	s16 =	simm.s32 $0x7880  }
0x16a: {  	[tilespmem:s16], [sflag:$0x1] =	stream.indirect_vreg.gather [hbm4b:s1+s3], $0x80, v3, vm0, $0xb8;
	[tilespmem:$0x18180] =	vst v63  }
0x16b: {  	_ = 	snop  }
0x16c: {  	[tilespmem:s4], [sflag:$0x1] =	stream.indirect_vreg.gather [hbm4b:s8+s3], $0x80, v3, vm0, $0xb8;
	[tilespmem:$0x18180] =	vst v63  }
0x16d: {  	s16 =	simm.s32 $0x8880  }
0x16e: {  	[tilespmem:s16], [sflag:$0x1] =	stream.indirect_vreg.gather [hbm4b:s9+s3], $0x80, v3, vm0, $0xb8;
	[tilespmem:$0x18180] =	vst v63  }
0x16f: {  	v3 =	vld [tilespmem:$0x30];
	_ =	sdelay $0x4  }
0x170: {  	v63 =	vshrl.u32 v3, $0x3  }
0x171: {  	v4 =	vmul.u32 $0x30, v63  }
0x172: {  	v3 =	vand.u32 $0x7, v3  }
0x173: {  	v3 =	vor.u32 v3, v4  }
0x174: {  	v4 =	vperm.xlane v3, v0;
	_ =	sdelay $0x1  }
0x175: {  	v4 =	vadd.s32 v1, v4;
	_ =	sdelay $0x3  }
0x176: {  	v3 =	vperm.xlane v3, v2  }
0x177: {  	[tilespmem:s11], [sflag:$0x1] =	stream.indirect_vreg.gather [hbm4b:s1+s3], $0x80, v4, vm0, $0xb8;
	[tilespmem:$0x18180] =	vst v63  }
0x178: {  	s16 =	simm.s32 $0x9880;
	v3 =	vadd.s32 v1, v3  }
0x179: {  	[tilespmem:s16], [sflag:$0x1] =	stream.indirect_vreg.gather [hbm4b:s8+s3], $0x80, v4, vm0, $0xb8;
	[tilespmem:$0x18180] =	vst v63  }
0x17a: {  	_ = 	snop  }
0x17b: {  	[tilespmem:s14], [sflag:$0x1] =	stream.indirect_vreg.gather [hbm4b:s9+s3], $0x80, v4, vm0, $0xb8;
	[tilespmem:$0x18180] =	vst v63  }
0x17c: {  	s16 =	simm.s32 $0xA880  }
0x17d: {  	[tilespmem:s16], [sflag:$0x1] =	stream.indirect_vreg.gather [hbm4b:s1+s3], $0x80, v3, vm0, $0xb8;
	[tilespmem:$0x18180] =	vst v63  }
.Ltmp5:
0x17e: {  	_ = 	snop;
	(pc) =	sbr.rel .LBB2_7-.Ltmp5, $4  }
0x17f: {  	_ = 	snop  }
0x180: {  	[tilespmem:s15], [sflag:$0x1] =	stream.indirect_vreg.gather [hbm4b:s8+s3], $0x80, v3, vm0, $0xb8;
	[tilespmem:$0x18180] =	vst v63  }
0x181: {  	s16 =	simm.s32 $0xB880  }
0x182: {  	[tilespmem:s16], [sflag:$0x1] =	stream.indirect_vreg.gather [hbm4b:s9+s3], $0x80, v3, vm0, $0xb8;
	[tilespmem:$0x18180] =	vst v63  }
.LBB2_6:
.Ltmp6:
0x183: {  	(pc) =	sbr.rel @p1 .LBB2_17-.Ltmp6, $1  }
0x184: {  	_ =	sdelay $0x3  }
.LBB2_7:
0x185: {  	s23 =	sadd.s32 $0x40, s20  }
0x186: {  	s23 =	sshrl.u32 s23, $0x3  }
0x187: {  	_ =	swait.ge [sflag:s18], $0xC000;
	s23 =	smul.u32 $0x300, s23  }
0x188: {  	p1 =	slt.u32 s21, $0x4;
	[sflag:s18] =	ssyncset.done $0x0  }
.Ltmp7:
0x189: {  	[sflag:s18] =	ssyncadd.s32 $0xFFFF4000;
	s23 =	sadd.s32 s6, s23;
	(pc) =	sbr.rel @p1 .LBB2_9-.Ltmp7, $4  }
0x18a: {  	[hbm4b:s23+s3] =	stream.linear.scatter [tilespmem:s19], [sflag:$0x3], $0xC000, $0x38;
	[tilespmem:$0x18180] =	vst v63  }
0x18b: {  	_ =	swait.ge [sflag:s12], $0xC000  }
0x18c: {  	s16 =	sadd.s32 $0xC0, s20;
	[sflag:s12] =	ssyncset.done $0x0  }
0x18d: {  	s23 =	sshrl.u32 s16, $0x3;
	[sflag:s12] =	ssyncadd.s32 $0xFFFF4000  }
0x18e: {  	s24 =	sadd.s32 s2, s23;
	s16 =	simm.s32 $0xC080  }
0x18f: {  	[tilespmem:s16], [sflag:$0x3] =	stream.linear.gather [hbm4b:s24+s3], $0x40, $0x38;
	[tilespmem:$0x18180] =	vst v63  }
0x190: {  	_ =	swait.ge [sflag:s12], $0x40  }
0x191: {  	[sflag:s12] =	ssyncset.done $0x0  }
0x192: {  	[sflag:s12] =	ssyncadd.s32 $0xFFFFFFC0  }
0x193: {  	v3 =	vld [tilespmem:$0xC080];
	_ =	sdelay $0x4  }
0x194: {  	v4 =	vshrl.u32 v3, $0x3  }
0x195: {  	v4 =	vmul.u32 $0x30, v4  }
0x196: {  	v3 =	vand.u32 $0x7, v3  }
0x197: {  	v3 =	vor.u32 v3, v4  }
0x198: {  	v4 =	vperm.xlane v3, v0;
	_ =	sdelay $0x1  }
0x199: {  	v4 =	vadd.s32 v1, v4;
	_ =	sdelay $0x3  }
0x19a: {  	v3 =	vperm.xlane v3, v2  }
0x19b: {  	[tilespmem:s19], [sflag:$0x2] =	stream.indirect_vreg.gather [hbm4b:s1+s3], $0x80, v4, vm0, $0xb8;
	[tilespmem:$0x18180] =	vst v63  }
0x19c: {  	s16 =	simm.s32 $0xC900;
	v3 =	vadd.s32 v1, v3  }
0x19d: {  	[tilespmem:s16], [sflag:$0x2] =	stream.indirect_vreg.gather [hbm4b:s8+s3], $0x80, v4, vm0, $0xb8;
	[tilespmem:$0x18180] =	vst v63  }
0x19e: {  	s16 =	simm.s32 $0xD100  }
0x19f: {  	[tilespmem:s16], [sflag:$0x2] =	stream.indirect_vreg.gather [hbm4b:s9+s3], $0x80, v4, vm0, $0xb8;
	[tilespmem:$0x18180] =	vst v63  }
0x1a0: {  	s16 =	simm.s32 $0xD900  }
0x1a1: {  	[tilespmem:s16], [sflag:$0x2] =	stream.indirect_vreg.gather [hbm4b:s1+s3], $0x80, v3, vm0, $0xb8;
	[tilespmem:$0x18180] =	vst v63  }
0x1a2: {  	s16 =	simm.s32 $0xE100  }
0x1a3: {  	[tilespmem:s16], [sflag:$0x2] =	stream.indirect_vreg.gather [hbm4b:s8+s3], $0x80, v3, vm0, $0xb8;
	[tilespmem:$0x18180] =	vst v63  }
0x1a4: {  	s16 =	simm.s32 $0xE900  }
0x1a5: {  	[tilespmem:s16], [sflag:$0x2] =	stream.indirect_vreg.gather [hbm4b:s9+s3], $0x80, v3, vm0, $0xb8;
	[tilespmem:$0x18180] =	vst v63  }
0x1a6: {  	v3 =	vld [tilespmem:$0xC090];
	_ =	sdelay $0x4  }
0x1a7: {  	v61 =	vshrl.u32 v3, $0x3  }
0x1a8: {  	v4 =	vmul.u32 $0x30, v61  }
0x1a9: {  	v3 =	vand.u32 $0x7, v3  }
0x1aa: {  	v3 =	vor.u32 v3, v4  }
0x1ab: {  	v4 =	vperm.xlane v3, v0;
	_ =	sdelay $0x1  }
0x1ac: {  	v4 =	vadd.s32 v1, v4;
	_ =	sdelay $0x3  }
0x1ad: {  	s16 =	simm.s32 $0xF100;
	v3 =	vperm.xlane v3, v2  }
0x1ae: {  	[tilespmem:s16], [sflag:$0x2] =	stream.indirect_vreg.gather [hbm4b:s1+s3], $0x80, v4, vm0, $0xb8;
	[tilespmem:$0x18180] =	vst v63  }
0x1af: {  	v3 =	vadd.s32 v1, v3;
	s16 =	simm.s32 $0xF900  }
0x1b0: {  	[tilespmem:s16], [sflag:$0x2] =	stream.indirect_vreg.gather [hbm4b:s8+s3], $0x80, v4, vm0, $0xb8;
	[tilespmem:$0x18180] =	vst v63  }
0x1b1: {  	s16 =	simm.s32 $0x10100  }
0x1b2: {  	[tilespmem:s16], [sflag:$0x2] =	stream.indirect_vreg.gather [hbm4b:s9+s3], $0x80, v4, vm0, $0xb8;
	[tilespmem:$0x18180] =	vst v63  }
0x1b3: {  	s16 =	simm.s32 $0x10900  }
0x1b4: {  	[tilespmem:s16], [sflag:$0x2] =	stream.indirect_vreg.gather [hbm4b:s1+s3], $0x80, v3, vm0, $0xb8;
	[tilespmem:$0x18180] =	vst v63  }
0x1b5: {  	s16 =	simm.s32 $0x11100  }
0x1b6: {  	[tilespmem:s16], [sflag:$0x2] =	stream.indirect_vreg.gather [hbm4b:s8+s3], $0x80, v3, vm0, $0xb8;
	[tilespmem:$0x18180] =	vst v63  }
0x1b7: {  	s16 =	simm.s32 $0x11900  }
0x1b8: {  	[tilespmem:s16], [sflag:$0x2] =	stream.indirect_vreg.gather [hbm4b:s9+s3], $0x80, v3, vm0, $0xb8;
	[tilespmem:$0x18180] =	vst v63  }
0x1b9: {  	v3 =	vld [tilespmem:$0xC0A0];
	_ =	sdelay $0x4  }
0x1ba: {  	v62 =	vshrl.u32 v3, $0x3  }
0x1bb: {  	v4 =	vmul.u32 $0x30, v62  }
0x1bc: {  	v3 =	vand.u32 $0x7, v3  }
0x1bd: {  	v3 =	vor.u32 v3, v4  }
0x1be: {  	v4 =	vperm.xlane v3, v0;
	_ =	sdelay $0x1  }
0x1bf: {  	v4 =	vadd.s32 v1, v4;
	_ =	sdelay $0x3  }
0x1c0: {  	s16 =	simm.s32 $0x12100;
	v3 =	vperm.xlane v3, v2  }
0x1c1: {  	[tilespmem:s16], [sflag:$0x2] =	stream.indirect_vreg.gather [hbm4b:s1+s3], $0x80, v4, vm0, $0xb8;
	[tilespmem:$0x18180] =	vst v63  }
0x1c2: {  	v3 =	vadd.s32 v1, v3;
	s16 =	simm.s32 $0x12900  }
0x1c3: {  	[tilespmem:s16], [sflag:$0x2] =	stream.indirect_vreg.gather [hbm4b:s8+s3], $0x80, v4, vm0, $0xb8;
	[tilespmem:$0x18180] =	vst v63  }
0x1c4: {  	s16 =	simm.s32 $0x13100  }
0x1c5: {  	[tilespmem:s16], [sflag:$0x2] =	stream.indirect_vreg.gather [hbm4b:s9+s3], $0x80, v4, vm0, $0xb8;
	[tilespmem:$0x18180] =	vst v63  }
0x1c6: {  	s16 =	simm.s32 $0x13900  }
0x1c7: {  	[tilespmem:s16], [sflag:$0x2] =	stream.indirect_vreg.gather [hbm4b:s1+s3], $0x80, v3, vm0, $0xb8;
	[tilespmem:$0x18180] =	vst v63  }
0x1c8: {  	s16 =	simm.s32 $0x14100  }
0x1c9: {  	[tilespmem:s16], [sflag:$0x2] =	stream.indirect_vreg.gather [hbm4b:s8+s3], $0x80, v3, vm0, $0xb8;
	[tilespmem:$0x18180] =	vst v63  }
0x1ca: {  	s16 =	simm.s32 $0x14900  }
0x1cb: {  	[tilespmem:s16], [sflag:$0x2] =	stream.indirect_vreg.gather [hbm4b:s9+s3], $0x80, v3, vm0, $0xb8;
	[tilespmem:$0x18180] =	vst v63  }
0x1cc: {  	v3 =	vld [tilespmem:$0xC0B0];
	_ =	sdelay $0x4  }
0x1cd: {  	v63 =	vshrl.u32 v3, $0x3  }
0x1ce: {  	v4 =	vmul.u32 $0x30, v63  }
0x1cf: {  	v3 =	vand.u32 $0x7, v3  }
0x1d0: {  	v3 =	vor.u32 v3, v4  }
0x1d1: {  	v4 =	vperm.xlane v3, v0;
	_ =	sdelay $0x1  }
0x1d2: {  	v4 =	vadd.s32 v1, v4;
	_ =	sdelay $0x3  }
0x1d3: {  	s16 =	simm.s32 $0x15100;
	v3 =	vperm.xlane v3, v2  }
0x1d4: {  	[tilespmem:s16], [sflag:$0x2] =	stream.indirect_vreg.gather [hbm4b:s1+s3], $0x80, v4, vm0, $0xb8;
	[tilespmem:$0x18180] =	vst v63  }
0x1d5: {  	v3 =	vadd.s32 v1, v3;
	s16 =	simm.s32 $0x15900  }
0x1d6: {  	[tilespmem:s16], [sflag:$0x2] =	stream.indirect_vreg.gather [hbm4b:s8+s3], $0x80, v4, vm0, $0xb8;
	[tilespmem:$0x18180] =	vst v63  }
0x1d7: {  	s16 =	simm.s32 $0x16100  }
0x1d8: {  	[tilespmem:s16], [sflag:$0x2] =	stream.indirect_vreg.gather [hbm4b:s9+s3], $0x80, v4, vm0, $0xb8;
	[tilespmem:$0x18180] =	vst v63  }
0x1d9: {  	s16 =	simm.s32 $0x16900  }
0x1da: {  	[tilespmem:s16], [sflag:$0x2] =	stream.indirect_vreg.gather [hbm4b:s1+s3], $0x80, v3, vm0, $0xb8;
	[tilespmem:$0x18180] =	vst v63  }
.Ltmp8:
0x1db: {  	_ = 	snop;
	(pc) =	sbr.rel .LBB2_10-.Ltmp8, $4  }
0x1dc: {  	s16 =	simm.s32 $0x17100  }
0x1dd: {  	[tilespmem:s16], [sflag:$0x2] =	stream.indirect_vreg.gather [hbm4b:s8+s3], $0x80, v3, vm0, $0xb8;
	[tilespmem:$0x18180] =	vst v63  }
0x1de: {  	s24 =	simm.s32 $0x18100;
	s16 =	simm.s32 $0x17900  }
0x1df: {  	[tilespmem:s16], [sflag:$0x2] =	stream.indirect_vreg.gather [hbm4b:s9+s3], $0x80, v3, vm0, $0xb8;
	[tilespmem:$0x18180] =	vst v63  }
.LBB2_9:
.Ltmp9:
0x1e0: {  	(pc) =	sbr.rel @p0 .LBB2_17-.Ltmp9, $1  }
0x1e1: {  	_ =	sdelay $0x3  }
.LBB2_10:
0x1e2: {  	_ =	swait.ge [sflag:s17], $0xC000;
	s22 =	smul.u32 $0x300, s22  }
0x1e3: {  	p2 =	slt.u32 s21, $0x5;
	[sflag:s17] =	ssyncset.done $0x0  }
.Ltmp10:
0x1e4: {  	[sflag:s17] =	ssyncadd.s32 $0xFFFF4000;
	s22 =	sadd.s32 s6, s22;
	(pc) =	sbr.rel @p2 .LBB2_12-.Ltmp10, $4  }
0x1e5: {  	[hbm4b:s22+s3] =	stream.linear.scatter [tilespmem:s13], [sflag:$0x3], $0xC000, $0x38;
	[tilespmem:$0x18180] =	vst v63  }
0x1e6: {  	_ =	swait.ge [sflag:s12], $0xC000  }
0x1e7: {  	s16 =	sadd.s32 $0x100, s20;
	[sflag:s12] =	ssyncset.done $0x0  }
0x1e8: {  	s22 =	sshrl.u32 s16, $0x3;
	[sflag:s12] =	ssyncadd.s32 $0xFFFF4000  }
0x1e9: {  	s24 =	sadd.s32 s2, s22  }
0x1ea: {  	[tilespmem:s3], [sflag:$0x3] =	stream.linear.gather [hbm4b:s24+s3], $0x40, $0x38;
	[tilespmem:$0x18180] =	vst v63  }
0x1eb: {  	_ =	swait.ge [sflag:s12], $0x40  }
0x1ec: {  	[sflag:s12] =	ssyncset.done $0x0  }
0x1ed: {  	[sflag:s12] =	ssyncadd.s32 $0xFFFFFFC0  }
0x1ee: {  	v3 =	vld [tilespmem:$0x0];
	_ =	sdelay $0x4  }
0x1ef: {  	v4 =	vshrl.u32 v3, $0x3  }
0x1f0: {  	v4 =	vmul.u32 $0x30, v4  }
0x1f1: {  	v3 =	vand.u32 $0x7, v3  }
0x1f2: {  	v3 =	vor.u32 v3, v4  }
0x1f3: {  	v4 =	vperm.xlane v3, v0;
	_ =	sdelay $0x1  }
0x1f4: {  	v4 =	vadd.s32 v1, v4;
	_ =	sdelay $0x3  }
0x1f5: {  	v3 =	vperm.xlane v3, v2  }
0x1f6: {  	[tilespmem:s13], [sflag:$0x1] =	stream.indirect_vreg.gather [hbm4b:s1+s3], $0x80, v4, vm0, $0xb8;
	[tilespmem:$0x18180] =	vst v63  }
0x1f7: {  	s25 =	simm.s32 $0x880;
	v3 =	vadd.s32 v1, v3  }
0x1f8: {  	[tilespmem:s25], [sflag:$0x1] =	stream.indirect_vreg.gather [hbm4b:s8+s3], $0x80, v4, vm0, $0xb8;
	[tilespmem:$0x18180] =	vst v63  }
0x1f9: {  	s25 =	simm.s32 $0x1080  }
0x1fa: {  	[tilespmem:s25], [sflag:$0x1] =	stream.indirect_vreg.gather [hbm4b:s9+s3], $0x80, v4, vm0, $0xb8;
	[tilespmem:$0x18180] =	vst v63  }
0x1fb: {  	s26 =	simm.s32 $0x1880  }
0x1fc: {  	[tilespmem:s26], [sflag:$0x1] =	stream.indirect_vreg.gather [hbm4b:s1+s3], $0x80, v3, vm0, $0xb8;
	[tilespmem:$0x18180] =	vst v63  }
0x1fd: {  	s26 =	simm.s32 $0x2080  }
0x1fe: {  	[tilespmem:s26], [sflag:$0x1] =	stream.indirect_vreg.gather [hbm4b:s8+s3], $0x80, v3, vm0, $0xb8;
	[tilespmem:$0x18180] =	vst v63  }
0x1ff: {  	s28 =	simm.s32 $0x2880  }
0x200: {  	[tilespmem:s28], [sflag:$0x1] =	stream.indirect_vreg.gather [hbm4b:s9+s3], $0x80, v3, vm0, $0xb8;
	[tilespmem:$0x18180] =	vst v63  }
0x201: {  	v3 =	vld [tilespmem:$0x10];
	_ =	sdelay $0x4  }
0x202: {  	v61 =	vshrl.u32 v3, $0x3  }
0x203: {  	v4 =	vmul.u32 $0x30, v61  }
0x204: {  	v3 =	vand.u32 $0x7, v3  }
0x205: {  	v3 =	vor.u32 v3, v4  }
0x206: {  	v4 =	vperm.xlane v3, v0;
	_ =	sdelay $0x1  }
0x207: {  	v4 =	vadd.s32 v1, v4;
	_ =	sdelay $0x3  }
0x208: {  	s28 =	simm.s32 $0x3080;
	v3 =	vperm.xlane v3, v2  }
0x209: {  	[tilespmem:s28], [sflag:$0x1] =	stream.indirect_vreg.gather [hbm4b:s1+s3], $0x80, v4, vm0, $0xb8;
	[tilespmem:$0x18180] =	vst v63  }
0x20a: {  	s29 =	simm.s32 $0x3880;
	v3 =	vadd.s32 v1, v3  }
0x20b: {  	[tilespmem:s29], [sflag:$0x1] =	stream.indirect_vreg.gather [hbm4b:s8+s3], $0x80, v4, vm0, $0xb8;
	[tilespmem:$0x18180] =	vst v63  }
0x20c: {  	s29 =	simm.s32 $0x4080  }
0x20d: {  	[tilespmem:s29], [sflag:$0x1] =	stream.indirect_vreg.gather [hbm4b:s9+s3], $0x80, v4, vm0, $0xb8;
	[tilespmem:$0x18180] =	vst v63  }
0x20e: {  	s30 =	simm.s32 $0x4880  }
0x20f: {  	[tilespmem:s30], [sflag:$0x1] =	stream.indirect_vreg.gather [hbm4b:s1+s3], $0x80, v3, vm0, $0xb8;
	[tilespmem:$0x18180] =	vst v63  }
0x210: {  	s30 =	simm.s32 $0x5080  }
0x211: {  	[tilespmem:s30], [sflag:$0x1] =	stream.indirect_vreg.gather [hbm4b:s8+s3], $0x80, v3, vm0, $0xb8;
	[tilespmem:$0x18180] =	vst v63  }
0x212: {  	s31 =	simm.s32 $0x5880  }
0x213: {  	[tilespmem:s31], [sflag:$0x1] =	stream.indirect_vreg.gather [hbm4b:s9+s3], $0x80, v3, vm0, $0xb8;
	[tilespmem:$0x18180] =	vst v63  }
0x214: {  	v3 =	vld [tilespmem:$0x20];
	_ =	sdelay $0x4  }
0x215: {  	v62 =	vshrl.u32 v3, $0x3  }
0x216: {  	v4 =	vmul.u32 $0x30, v62  }
0x217: {  	v3 =	vand.u32 $0x7, v3  }
0x218: {  	v3 =	vor.u32 v3, v4  }
0x219: {  	v4 =	vperm.xlane v3, v0;
	_ =	sdelay $0x1  }
0x21a: {  	v4 =	vadd.s32 v1, v4;
	_ =	sdelay $0x3  }
0x21b: {  	s31 =	simm.s32 $0x6080;
	v3 =	vperm.xlane v3, v2  }
0x21c: {  	[tilespmem:s31], [sflag:$0x1] =	stream.indirect_vreg.gather [hbm4b:s1+s3], $0x80, v4, vm0, $0xb8;
	[tilespmem:$0x18180] =	vst v63  }
0x21d: {  	s0 =	simm.s32 $0x6880;
	v3 =	vadd.s32 v1, v3  }
0x21e: {  	[tilespmem:s0], [sflag:$0x1] =	stream.indirect_vreg.gather [hbm4b:s8+s3], $0x80, v4, vm0, $0xb8;
	[tilespmem:$0x18180] =	vst v63  }
0x21f: {  	s0 =	simm.s32 $0x7080  }
0x220: {  	[tilespmem:s0], [sflag:$0x1] =	stream.indirect_vreg.gather [hbm4b:s9+s3], $0x80, v4, vm0, $0xb8;
	[tilespmem:$0x18180] =	vst v63  }
0x221: {  	s4 =	simm.s32 $0x7880  }
0x222: {  	[tilespmem:s4], [sflag:$0x1] =	stream.indirect_vreg.gather [hbm4b:s1+s3], $0x80, v3, vm0, $0xb8;
	[tilespmem:$0x18180] =	vst v63  }
0x223: {  	s4 =	simm.s32 $0x8080  }
0x224: {  	[tilespmem:s4], [sflag:$0x1] =	stream.indirect_vreg.gather [hbm4b:s8+s3], $0x80, v3, vm0, $0xb8;
	[tilespmem:$0x18180] =	vst v63  }
0x225: {  	s11 =	simm.s32 $0x8880  }
0x226: {  	[tilespmem:s11], [sflag:$0x1] =	stream.indirect_vreg.gather [hbm4b:s9+s3], $0x80, v3, vm0, $0xb8;
	[tilespmem:$0x18180] =	vst v63  }
0x227: {  	v3 =	vld [tilespmem:$0x30];
	_ =	sdelay $0x4  }
0x228: {  	v63 =	vshrl.u32 v3, $0x3  }
0x229: {  	v4 =	vmul.u32 $0x30, v63  }
0x22a: {  	v3 =	vand.u32 $0x7, v3  }
0x22b: {  	v3 =	vor.u32 v3, v4  }
0x22c: {  	v4 =	vperm.xlane v3, v0;
	_ =	sdelay $0x1  }
0x22d: {  	v4 =	vadd.s32 v1, v4;
	_ =	sdelay $0x3  }
0x22e: {  	s11 =	simm.s32 $0x9080;
	v3 =	vperm.xlane v3, v2  }
0x22f: {  	[tilespmem:s11], [sflag:$0x1] =	stream.indirect_vreg.gather [hbm4b:s1+s3], $0x80, v4, vm0, $0xb8;
	[tilespmem:$0x18180] =	vst v63  }
0x230: {  	s14 =	simm.s32 $0x9880;
	v3 =	vadd.s32 v1, v3  }
0x231: {  	[tilespmem:s14], [sflag:$0x1] =	stream.indirect_vreg.gather [hbm4b:s8+s3], $0x80, v4, vm0, $0xb8;
	[tilespmem:$0x18180] =	vst v63  }
0x232: {  	s14 =	simm.s32 $0xA080  }
0x233: {  	[tilespmem:s14], [sflag:$0x1] =	stream.indirect_vreg.gather [hbm4b:s9+s3], $0x80, v4, vm0, $0xb8;
	[tilespmem:$0x18180] =	vst v63  }
0x234: {  	s15 =	simm.s32 $0xA880  }
0x235: {  	[tilespmem:s15], [sflag:$0x1] =	stream.indirect_vreg.gather [hbm4b:s1+s3], $0x80, v3, vm0, $0xb8;
	[tilespmem:$0x18180] =	vst v63  }
.Ltmp11:
0x236: {  	_ = 	snop;
	(pc) =	sbr.rel .LBB2_13-.Ltmp11, $4  }
0x237: {  	s15 =	simm.s32 $0xB080  }
0x238: {  	[tilespmem:s15], [sflag:$0x1] =	stream.indirect_vreg.gather [hbm4b:s8+s3], $0x80, v3, vm0, $0xb8;
	[tilespmem:$0x18180] =	vst v63  }
0x239: {  	s16 =	simm.s32 $0xB880;
	s24 =	simm.s32 $0x18100  }
0x23a: {  	[tilespmem:s16], [sflag:$0x1] =	stream.indirect_vreg.gather [hbm4b:s9+s3], $0x80, v3, vm0, $0xb8;
	[tilespmem:$0x18180] =	vst v63  }
.LBB2_12:
.Ltmp12:
0x23b: {  	(pc) =	sbr.rel @p1 .LBB2_17-.Ltmp12, $1  }
0x23c: {  	_ =	sdelay $0x3  }
.LBB2_13:
0x23d: {  	_ =	swait.ge [sflag:s18], $0xC000;
	s23 =	smul.u32 $0x300, s23  }
0x23e: {  	p0 =	slt.u32 s21, $0x6;
	[sflag:s18] =	ssyncset.done $0x0  }
.Ltmp13:
0x23f: {  	[sflag:s18] =	ssyncadd.s32 $0xFFFF4000;
	s23 =	sadd.s32 s6, s23;
	(pc) =	sbr.rel @!p0 .LBB2_14-.Ltmp13, $4  }
0x240: {  	[hbm4b:s23+s3] =	stream.linear.scatter [tilespmem:s19], [sflag:$0x3], $0xC000, $0x38;
	[tilespmem:$0x18180] =	vst v63  }
0x241: {  	_ =	swait.ge [sflag:s12], $0xC000  }
0x242: {  	[sflag:s12] =	ssyncset.done $0x0  }
0x243: {  	[sflag:s12] =	ssyncadd.s32 $0xFFFF4000  }
.Ltmp14:
0x244: {  	(pc) =	sbr.rel @p2 .LBB2_17-.Ltmp14, $4  }
.Ltmp15:
0x245: {  	(pc) =	sbr.rel @!p2 .LBB2_16-.Ltmp15, $4  }
0x246: {  	_ = 	snop  }
0x247: {  	_ = 	snop  }
0x248: {  	_ = 	snop  }
0x249: {  	_ = 	snop  }
.LBB2_18:
0x24a: {  	_ =	sfence.sel $0x180000  }
0x24b: {  	[bflag:$0x0] =	sbarrier.arrive $0xFFFF  }
0x24c: {  	_ =	strace $0x9000004A  }
0x24d: {  	s0 =	stileid.u32;
	[bflag:$0x2] =	sbarrier.arrive $0xFFFF  }
0x24e: {  	p0 =	sne.s32 s0, $0x0;
	s0 =	rddreg [dreg:$0x3]  }
0x24f: {  	s0 =	sadd.s32 @!p0 $0x100000, s0  }
0x250: {  	[sflag:s0] =	ssyncadd.tile.s32 @!p0 $0x1;
	_ =	shalt  }
.Lfunc_end2:
_tile_overlayer_lowered:
.L_overlay_start_2:
0x251: {  	(tag) =	ssettag $0x2  }
0x252: {  	s0 =	rddreg [dreg:$0x0];
	s2 =	stileid.u32  }
0x253: {  	s1 =	rddreg [dreg:$0x1];
	p0 =	sne.s32 s2, $0x0  }
0x254: {  	s3 =	rddreg [dreg:$0x2];
	[bflag:$0x3] =	sbarrier.arrive $0xFFFF;
	s2 =	simm.s32 @!p0 $0x1C03  }
0x255: {  	[timem:s3], [sflag:s2] =	dma.local @!p0 [hbm:s0], s1  }
0x256: {  	s0 =	simm.s32 @!p0 $0x3  }
0x257: {  	_ =	swait.ge @!p0 [sflag:s0], s1  }
0x258: {  	s1 =	ssub.s32 @!p0 $0x0, s1;
	[sflag:s0] =	ssyncset.done @!p0 $0x0  }
0x259: {  	[sflag:s0] =	ssyncadd.s32 @!p0 s1  }
0x25a: {  	[bflag:$0x3] =	sbarrier.arrive $0xFFFF  }
0x25b: {  	_ =	shalt  }

</sc_bundles>
